<compile_context>
chip_gen: v7x
topology: tpu7x:2x2x1
jax: 0.10.2.dev20260603
libtpu: 0.0.44.dev20260713+nightly
codegen_flags: <defaults>
</compile_context>

<pallas_src>
import functools

import jax
import jax.numpy as jnp
from jax import lax
from jax.experimental import pallas as pl
from jax.experimental.pallas import tpu as pltpu
from jax.experimental.pallas import tpu_sc as plsc

_EMB = 6
_NE = 3
_NC = 2
_NS = 16
_NW = _NC * _NS
_L = 16
_NPARAM = _EMB * _NE + _NE * _EMB * _EMB


def _bf16r(v):
    u = lax.bitcast_convert_type(v, jnp.int32)
    rounded = (u + 0x7FFF + ((u >> 16) & 1)) & ~0xFFFF
    return lax.bitcast_convert_type(rounded, jnp.float32)


def _moe_body(ntok, x_hbm, p_hbm, out_hbm, xv, pv, outv, sem):
    ntok_w = ntok // _NW
    rows_w = ntok_w // 128
    wid = lax.axis_index("s") * _NC + lax.axis_index("c")
    rbase = wid * rows_w

    cin = pltpu.async_copy(x_hbm.at[:, pl.ds(rbase, rows_w), :], xv, sem)
    cp = pltpu.async_copy(p_hbm, pv.at[pl.ds(0, _NPARAM)], sem)
    cin.wait()
    cp.wait()

    chunks = [pv[pl.ds(i * _L, _L)] for i in range(8)]
    wrc = [_bf16r(chunks[0]), _bf16r(chunks[1])]

    def Pr(k):
        return wrc[k // _L][k % _L]

    def Pe(k):
        idx = _EMB * _NE + k
        return chunks[idx // _L][idx % _L]

    nlane = 128 // _L

    @plsc.parallel_loop(0, ntok_w // _L, unroll=4)
    def step(g):
        row = g // nlane
        col = (g % nlane) * _L
        xs = [xv[d, row, pl.ds(col, _L)] for d in range(_EMB)]

        xr = [_bf16r(v) for v in xs]
        ls = []
        for j in range(_NE):
            a = xr[0] * Pr(j * _EMB)
            for d in range(1, _EMB):
                a = a + xr[d] * Pr(j * _EMB + d)
            ls.append(a)
        m = jnp.maximum(jnp.maximum(ls[0], ls[1]), ls[2])
        es = [jnp.exp(l - m) for l in ls]
        r = 1.0 / (es[0] + es[1] + es[2])
        g0, g1, g2 = es[0] * r, es[1] * r, es[2] * r

        l0, l1, l2 = ls
        drop0 = (l0 < l1) & (l0 < l2)
        drop1 = (l1 <= l0) & (l1 < l2)
        drop2 = (l2 <= l0) & (l2 <= l1)
        zero = jnp.zeros_like(g0)
        ws = [
            jnp.where(drop0, zero, g0),
            jnp.where(drop1, zero, g1),
            jnp.where(drop2, zero, g2),
        ]

        for dout in range(_EMB):
            acc = None
            for i in range(_NE):
                wbase = i * _EMB * _EMB + dout
                e = xs[0] * Pe(wbase)
                for din in range(1, _EMB):
                    e = e + xs[din] * Pe(wbase + din * _EMB)
                t = ws[i] * e
                acc = t if acc is None else acc + t
            outv[dout, row, pl.ds(col, _L)] = acc

    pltpu.async_copy(outv, out_hbm.at[:, pl.ds(rbase, rows_w), :], sem).wait()


def kernel(x, Wr, br, We, be):
    B, S, D = x.shape
    ntok = B * S

    xsoa = (x.astype(jnp.float32)
            .reshape(B, S // 128, 128, D)
            .transpose(3, 1, 0, 2)
            .reshape(D, ntok // 128, 128))
    params = jnp.concatenate([
        Wr.astype(jnp.float32).T.reshape(-1),
        We.astype(jnp.float32).reshape(-1),
    ])

    mesh = plsc.VectorSubcoreMesh(
        core_axis_name="c", subcore_axis_name="s",
        num_cores=_NC, num_subcores=_NS,
    )
    out = pl.kernel(
        functools.partial(_moe_body, ntok),
        out_type=jax.ShapeDtypeStruct((D, ntok // 128, 128), jnp.float32),
        mesh=mesh,
        scratch_types=[
            pltpu.VMEM((D, ntok // _NW // 128, 128), jnp.float32),
            pltpu.VMEM((9 * _L,), jnp.float32),
            pltpu.VMEM((D, ntok // _NW // 128, 128), jnp.float32),
            pltpu.SemaphoreType.DMA,
        ],
        compiler_params=pltpu.CompilerParams(needs_layout_passes=False),
        name="tiny_moe_sc",
    )(xsoa, params)
    return (out.reshape(D, S // 128, B, 128)
            .transpose(2, 1, 3, 0)
            .reshape(B, S, D))

# --- scband reference (transcript-rebuilt; emitter-appended) ---
"""Pipeline reference for scband-tiny-mo-e-55748675502354 (READ-ONLY COPY).

The authoritative reference and input builder live on the scoring server;
editing this copy changes nothing except your own understanding.
"""

import jax, jax.numpy as jnp
import numpy as np

EMB = 6
NE = 3
TOPK = 2


def setup_inputs(seed: int = 0) -> dict:
    key = jax.random.key(seed)
    ks = jax.random.split(key, 4)
    x = jax.random.normal(ks[0], (4, 8192, EMB), dtype=jnp.float32)
    # Router: Linear(emb_dim -> num_experts)
    Wr = jax.random.normal(ks[1], (EMB, NE), dtype=jnp.float32) * 0.1
    br = jnp.zeros((NE,), dtype=jnp.float32)
    # Experts: Linear(emb_dim -> emb_dim) each, stacked
    We = jax.random.normal(ks[2], (NE, EMB, EMB), dtype=jnp.float32) * 0.1
    be = jnp.zeros((NE, EMB), dtype=jnp.float32)
    return {"x": x, "Wr": Wr, "br": br, "We": We, "be": be}


def reference(x, Wr, br, We, be):
    B, S, D = x.shape
    xflat = x.reshape(-1, D)
    # Router: softmax gate over experts + top-k expert selection
    logits = xflat @ Wr + br
    gate = jax.nn.softmax(logits, axis=-1)
    _topv, topi = jax.lax.top_k(gate, TOPK)
    moe_out = jnp.zeros_like(xflat)
    for i in range(NE):
        # mask = (topk_idx == i).any(dim=-1); tokens routed to expert i
        mask = (topi == i).any(axis=-1)
        # gate weight for routed tokens (flatgate[mask, i]); zero elsewhere.
        # Dense-equivalent of xflat[flatmask] gather -> expert -> scatter-combine.
        w = jnp.where(mask, gate[:, i], 0.0)
        expert_out = xflat @ We[i] + be[i]
        moe_out = moe_out + w[:, None] * expert_out
    return moe_out.reshape(B, S, D)

if __name__ == "__main__":
    import jax
    _d = setup_inputs()
    print(jax.jit(kernel)(*tuple(_d.values())))

</pallas_src>

<mosaic_0001>
#map = affine_map<(d0, d1) -> (0, 0, 0)>
#map1 = affine_map<(d0, d1) -> (0)>
module attributes {stable_mosaic.version = 14 : i64} {
  func.func @tiny_moe_sc(%arg0: i32, %arg1: i32, %arg2: memref<6x256x128xf32, #tpu.memory_space<hbm>>, %arg3: memref<126xf32, #tpu.memory_space<hbm>>, %arg4: memref<6x256x128xf32, #tpu.memory_space<hbm>>, %arg5: memref<6x8x128xf32, #tpu.memory_space<vmem>>, %arg6: memref<144xf32, #tpu.memory_space<vmem>>, %arg7: memref<6x8x128xf32, #tpu.memory_space<vmem>>, %arg8: memref<!tpu.dma_semaphore, #tpu.memory_space<semaphore_mem>>) attributes {dimension_semantics = [#tpu.dimension_semantics<core_parallel>, #tpu.dimension_semantics<subcore_parallel>], iteration_bounds = array<i64: 2, 16>, scalar_prefetch = 0 : i64, scratch_operands = 4 : i64, tpu.core_type = #tpu.core_type<sc_vector_subcore>, window_params = [{transform_indices = #map}, {transform_indices = #map1}, {transform_indices = #map}]} {
    %mul3A = arith.constant 2 : i32
    %mul3A_0 = arith.muli %arg1, %mul3A : i32
    %add3A = arith.addi %mul3A_0, %arg0 : i32
    %mul3A_1 = arith.constant 8 : i32
    %mul3A_2 = arith.muli %add3A, %mul3A_1 : i32
    %dma_start3A = arith.constant 0 : i32
    %dma_start3A_3 = arith.constant 0 : i32
    %dma_start3A_4 = tpu.memref_slice %arg2[%dma_start3A, %mul3A_2, %dma_start3A_3] : memref<6x256x128xf32, #tpu.memory_space<hbm>> -> memref<6x8x128xf32, #tpu.memory_space<hbm>>
    %dma_start3A_5 = arith.constant 0 : i32
    %dma_start3A_6 = arith.constant 0 : i32
    %dma_start3A_7 = tpu.memref_slice %arg2[%dma_start3A_5, %mul3A_2, %dma_start3A_6] : memref<6x256x128xf32, #tpu.memory_space<hbm>> -> memref<6x8x128xf32, #tpu.memory_space<hbm>>
    tpu.enqueue_dma source(%dma_start3A_7 : memref<6x8x128xf32, #tpu.memory_space<hbm>>) target(%arg5 : memref<6x8x128xf32, #tpu.memory_space<vmem>>) target_semaphore(%arg8 : memref<!tpu.dma_semaphore, #tpu.memory_space<semaphore_mem>>)
    %dma_start3A_8 = arith.constant 0 : i32
    %dma_start3A_9 = tpu.memref_slice %arg6[%dma_start3A_8] : memref<144xf32, #tpu.memory_space<vmem>> -> memref<126xf32, #tpu.memory_space<vmem>>
    %dma_start3A_10 = arith.constant 0 : i32
    %dma_start3A_11 = tpu.memref_slice %arg6[%dma_start3A_10] : memref<144xf32, #tpu.memory_space<vmem>> -> memref<126xf32, #tpu.memory_space<vmem>>
    tpu.enqueue_dma source(%arg3 : memref<126xf32, #tpu.memory_space<hbm>>) target(%dma_start3A_11 : memref<126xf32, #tpu.memory_space<vmem>>) target_semaphore(%arg8 : memref<!tpu.dma_semaphore, #tpu.memory_space<semaphore_mem>>)
    %dma_wait3A = arith.constant 0 : i32
    %dma_wait3A_12 = arith.constant 0 : i32
    %dma_wait3A_13 = tpu.memref_slice %arg2[%dma_wait3A, %mul3A_2, %dma_wait3A_12] : memref<6x256x128xf32, #tpu.memory_space<hbm>> -> memref<6x8x128xf32, #tpu.memory_space<hbm>>
    %dma_wait3A_14 = arith.constant 0 : i32
    %dma_wait3A_15 = arith.constant 0 : i32
    %dma_wait3A_16 = tpu.memref_slice %arg2[%dma_wait3A_14, %mul3A_2, %dma_wait3A_15] : memref<6x256x128xf32, #tpu.memory_space<hbm>> -> memref<6x8x128xf32, #tpu.memory_space<hbm>>
    tpu.wait_dma2 semaphore(%arg8 : memref<!tpu.dma_semaphore, #tpu.memory_space<semaphore_mem>>) src(%dma_wait3A_16 : memref<6x8x128xf32, #tpu.memory_space<hbm>>) dst(%arg5 : memref<6x8x128xf32, #tpu.memory_space<vmem>>)
    %dma_wait3A_17 = arith.constant 0 : i32
    %dma_wait3A_18 = tpu.memref_slice %arg6[%dma_wait3A_17] : memref<144xf32, #tpu.memory_space<vmem>> -> memref<126xf32, #tpu.memory_space<vmem>>
    %dma_wait3A_19 = arith.constant 0 : i32
    %dma_wait3A_20 = tpu.memref_slice %arg6[%dma_wait3A_19] : memref<144xf32, #tpu.memory_space<vmem>> -> memref<126xf32, #tpu.memory_space<vmem>>
    tpu.wait_dma2 semaphore(%arg8 : memref<!tpu.dma_semaphore, #tpu.memory_space<semaphore_mem>>) src(%arg3 : memref<126xf32, #tpu.memory_space<hbm>>) dst(%dma_wait3A_20 : memref<126xf32, #tpu.memory_space<vmem>>)
    %get3A = arith.constant 0 : index
    %get3A_21 = tpu.vector_load %arg6[%get3A] {strides = array<i32>} : memref<144xf32, #tpu.memory_space<vmem>>, vector<16xf32>,
    %get3A_22 = arith.constant 16 : index
    %get3A_23 = tpu.vector_load %arg6[%get3A_22] {strides = array<i32>} : memref<144xf32, #tpu.memory_space<vmem>>, vector<16xf32>,
    %get3A_24 = arith.constant 32 : index
    %get3A_25 = tpu.vector_load %arg6[%get3A_24] {strides = array<i32>} : memref<144xf32, #tpu.memory_space<vmem>>, vector<16xf32>,
    %get3A_26 = arith.constant 48 : index
    %get3A_27 = tpu.vector_load %arg6[%get3A_26] {strides = array<i32>} : memref<144xf32, #tpu.memory_space<vmem>>, vector<16xf32>,
    %get3A_28 = arith.constant 64 : index
    %get3A_29 = tpu.vector_load %arg6[%get3A_28] {strides = array<i32>} : memref<144xf32, #tpu.memory_space<vmem>>, vector<16xf32>,
    %get3A_30 = arith.constant 80 : index
    %get3A_31 = tpu.vector_load %arg6[%get3A_30] {strides = array<i32>} : memref<144xf32, #tpu.memory_space<vmem>>, vector<16xf32>,
    %get3A_32 = arith.constant 96 : index
    %get3A_33 = tpu.vector_load %arg6[%get3A_32] {strides = array<i32>} : memref<144xf32, #tpu.memory_space<vmem>>, vector<16xf32>,
    %get3A_34 = arith.constant 112 : index
    %get3A_35 = tpu.vector_load %arg6[%get3A_34] {strides = array<i32>} : memref<144xf32, #tpu.memory_space<vmem>>, vector<16xf32>,
    %bitcast_convert_type3A = tpu.bitcast %get3A_21 : vector<16xf32> -> vector<16xi32>
    %add3A_36 = arith.constant 32767 : i32
    %add3A_37 = vector.broadcast %add3A_36 : i32 to vector<16xi32>
    %add3A_38 = arith.addi %bitcast_convert_type3A, %add3A_37 : vector<16xi32>
    %shift_right_arithmetic3A = arith.constant 16 : i32
    %shift_right_arithmetic3A_39 = vector.broadcast %shift_right_arithmetic3A : i32 to vector<16xi32>
    %shift_right_arithmetic3A_40 = arith.shrsi %bitcast_convert_type3A, %shift_right_arithmetic3A_39 : vector<16xi32>
    %and3A = arith.constant 1 : i32
    %and3A_41 = vector.broadcast %and3A : i32 to vector<16xi32>
    %and3A_42 = arith.andi %shift_right_arithmetic3A_40, %and3A_41 : vector<16xi32>
    %add3A_43 = arith.addi %add3A_38, %and3A_42 : vector<16xi32>
    %and3A_44 = arith.constant -65536 : i32
    %and3A_45 = vector.broadcast %and3A_44 : i32 to vector<16xi32>
    %and3A_46 = arith.andi %add3A_43, %and3A_45 : vector<16xi32>
    %bitcast_convert_type3A_47 = tpu.bitcast %and3A_46 : vector<16xi32> -> vector<16xf32>
    %bitcast_convert_type3A_48 = tpu.bitcast %get3A_23 : vector<16xf32> -> vector<16xi32>
    %add3A_49 = arith.constant 32767 : i32
    %add3A_50 = vector.broadcast %add3A_49 : i32 to vector<16xi32>
    %add3A_51 = arith.addi %bitcast_convert_type3A_48, %add3A_50 : vector<16xi32>
    %shift_right_arithmetic3A_52 = arith.constant 16 : i32
    %shift_right_arithmetic3A_53 = vector.broadcast %shift_right_arithmetic3A_52 : i32 to vector<16xi32>
    %shift_right_arithmetic3A_54 = arith.shrsi %bitcast_convert_type3A_48, %shift_right_arithmetic3A_53 : vector<16xi32>
    %and3A_55 = arith.constant 1 : i32
    %and3A_56 = vector.broadcast %and3A_55 : i32 to vector<16xi32>
    %and3A_57 = arith.andi %shift_right_arithmetic3A_54, %and3A_56 : vector<16xi32>
    %add3A_58 = arith.addi %add3A_51, %and3A_57 : vector<16xi32>
    %and3A_59 = arith.constant -65536 : i32
    %and3A_60 = vector.broadcast %and3A_59 : i32 to vector<16xi32>
    %and3A_61 = arith.andi %add3A_58, %and3A_60 : vector<16xi32>
    %bitcast_convert_type3A_62 = tpu.bitcast %and3A_61 : vector<16xi32> -> vector<16xf32>
    %parallel_loop3A = arith.constant 0 : i32
    %parallel_loop3A_63 = arith.constant 64 : i32
    %parallel_loop3A_64 = arith.constant 1 : i32
    scf.for %parallel_loop3A_77 = %parallel_loop3A to %parallel_loop3A_63 step %parallel_loop3A_64  : i32 {
      %parallel_loop3A_78 = arith.constant 8 : i32
      %parallel_loop3A_79 = arith.divsi %parallel_loop3A_77, %parallel_loop3A_78 : i32
      %parallel_loop3A_80 = arith.constant 0 : i32
      %parallel_loop3A_81 = arith.cmpi sgt, %parallel_loop3A_77, %parallel_loop3A_80 : i32
      %parallel_loop3A_82 = arith.extui %parallel_loop3A_81 : i1 to i32
      %parallel_loop3A_83 = arith.constant 0 : i32
      %parallel_loop3A_84 = arith.cmpi slt, %parallel_loop3A_77, %parallel_loop3A_83 : i32
      %parallel_loop3A_85 = arith.extui %parallel_loop3A_84 : i1 to i32
      %parallel_loop3A_86 = arith.subi %parallel_loop3A_82, %parallel_loop3A_85 : i32
      %parallel_loop3A_87 = arith.constant 0 : i32
      %parallel_loop3A_88 = arith.cmpi sgt, %parallel_loop3A_78, %parallel_loop3A_87 : i32
      %parallel_loop3A_89 = arith.extui %parallel_loop3A_88 : i1 to i32
      %parallel_loop3A_90 = arith.constant 0 : i32
      %parallel_loop3A_91 = arith.cmpi slt, %parallel_loop3A_78, %parallel_loop3A_90 : i32
      %parallel_loop3A_92 = arith.extui %parallel_loop3A_91 : i1 to i32
      %parallel_loop3A_93 = arith.subi %parallel_loop3A_89, %parallel_loop3A_92 : i32
      %parallel_loop3A_94 = arith.cmpi ne, %parallel_loop3A_86, %parallel_loop3A_93 : i32
      %parallel_loop3A_95 = arith.remsi %parallel_loop3A_77, %parallel_loop3A_78 : i32
      %parallel_loop3A_96 = arith.constant 0 : i32
      %parallel_loop3A_97 = arith.cmpi ne, %parallel_loop3A_95, %parallel_loop3A_96 : i32
      %parallel_loop3A_98 = arith.andi %parallel_loop3A_94, %parallel_loop3A_97 : i1
      %parallel_loop3A_99 = arith.constant 1 : i32
      %parallel_loop3A_100 = arith.subi %parallel_loop3A_79, %parallel_loop3A_99 : i32
      %parallel_loop3A_101 = arith.select %parallel_loop3A_98, %parallel_loop3A_100, %parallel_loop3A_79 : i32
      %parallel_loop3A_102 = arith.constant 8 : i32
      %parallel_loop3A_103 = arith.constant 0 : i32
      %parallel_loop3A_104 = arith.cmpi eq, %parallel_loop3A_102, %parallel_loop3A_103 : i32
      %parallel_loop3A_105 = arith.constant 1 : i32
      %parallel_loop3A_106 = arith.select %parallel_loop3A_104, %parallel_loop3A_105, %parallel_loop3A_102 : i32
      %parallel_loop3A_107 = arith.remsi %parallel_loop3A_77, %parallel_loop3A_106 : i32
      %parallel_loop3A_108 = arith.constant 0 : i32
      %parallel_loop3A_109 = arith.cmpi ne, %parallel_loop3A_107, %parallel_loop3A_108 : i32
      %parallel_loop3A_110 = arith.constant 0 : i32
      %parallel_loop3A_111 = arith.cmpi slt, %parallel_loop3A_107, %parallel_loop3A_110 : i32
      %parallel_loop3A_112 = arith.constant 0 : i32
      %parallel_loop3A_113 = arith.cmpi slt, %parallel_loop3A_106, %parallel_loop3A_112 : i32
      %parallel_loop3A_114 = arith.xori %parallel_loop3A_111, %parallel_loop3A_113 : i1
      %parallel_loop3A_115 = arith.andi %parallel_loop3A_114, %parallel_loop3A_109 : i1
      %parallel_loop3A_116 = arith.addi %parallel_loop3A_107, %parallel_loop3A_106 : i32
      %parallel_loop3A_117 = arith.select %parallel_loop3A_115, %parallel_loop3A_116, %parallel_loop3A_107 : i32
      %parallel_loop3A_118 = arith.constant 16 : i32
      %parallel_loop3A_119 = arith.muli %parallel_loop3A_117, %parallel_loop3A_118 : i32
      %parallel_loop3A_120 = arith.constant 0 : i32
      %parallel_loop3A_121 = arith.index_cast %parallel_loop3A_120 : i32 to index
      %parallel_loop3A_122 = arith.index_cast %parallel_loop3A_101 : i32 to index
      %parallel_loop3A_123 = arith.index_cast %parallel_loop3A_119 : i32 to index
      %parallel_loop3A_124 = tpu.vector_load %arg5[%parallel_loop3A_121, %parallel_loop3A_122, %parallel_loop3A_123] {strides = array<i32>} : memref<6x8x128xf32, #tpu.memory_space<vmem>>, vector<16xf32>,
      %parallel_loop3A_125 = arith.constant 1 : i32
      %parallel_loop3A_126 = arith.index_cast %parallel_loop3A_125 : i32 to index
      %parallel_loop3A_127 = arith.index_cast %parallel_loop3A_101 : i32 to index
      %parallel_loop3A_128 = arith.index_cast %parallel_loop3A_119 : i32 to index
      %parallel_loop3A_129 = tpu.vector_load %arg5[%parallel_loop3A_126, %parallel_loop3A_127, %parallel_loop3A_128] {strides = array<i32>} : memref<6x8x128xf32, #tpu.memory_space<vmem>>, vector<16xf32>,
      %parallel_loop3A_130 = arith.constant 2 : i32
      %parallel_loop3A_131 = arith.index_cast %parallel_loop3A_130 : i32 to index
      %parallel_loop3A_132 = arith.index_cast %parallel_loop3A_101 : i32 to index
      %parallel_loop3A_133 = arith.index_cast %parallel_loop3A_119 : i32 to index
      %parallel_loop3A_134 = tpu.vector_load %arg5[%parallel_loop3A_131, %parallel_loop3A_132, %parallel_loop3A_133] {strides = array<i32>} : memref<6x8x128xf32, #tpu.memory_space<vmem>>, vector<16xf32>,
      %parallel_loop3A_135 = arith.constant 3 : i32
      %parallel_loop3A_136 = arith.index_cast %parallel_loop3A_135 : i32 to index
      %parallel_loop3A_137 = arith.index_cast %parallel_loop3A_101 : i32 to index
      %parallel_loop3A_138 = arith.index_cast %parallel_loop3A_119 : i32 to index
      %parallel_loop3A_139 = tpu.vector_load %arg5[%parallel_loop3A_136, %parallel_loop3A_137, %parallel_loop3A_138] {strides = array<i32>} : memref<6x8x128xf32, #tpu.memory_space<vmem>>, vector<16xf32>,
      %parallel_loop3A_140 = arith.constant 4 : i32
      %parallel_loop3A_141 = arith.index_cast %parallel_loop3A_140 : i32 to index
      %parallel_loop3A_142 = arith.index_cast %parallel_loop3A_101 : i32 to index
      %parallel_loop3A_143 = arith.index_cast %parallel_loop3A_119 : i32 to index
      %parallel_loop3A_144 = tpu.vector_load %arg5[%parallel_loop3A_141, %parallel_loop3A_142, %parallel_loop3A_143] {strides = array<i32>} : memref<6x8x128xf32, #tpu.memory_space<vmem>>, vector<16xf32>,
      %parallel_loop3A_145 = arith.constant 5 : i32
      %parallel_loop3A_146 = arith.index_cast %parallel_loop3A_145 : i32 to index
      %parallel_loop3A_147 = arith.index_cast %parallel_loop3A_101 : i32 to index
      %parallel_loop3A_148 = arith.index_cast %parallel_loop3A_119 : i32 to index
      %parallel_loop3A_149 = tpu.vector_load %arg5[%parallel_loop3A_146, %parallel_loop3A_147, %parallel_loop3A_148] {strides = array<i32>} : memref<6x8x128xf32, #tpu.memory_space<vmem>>, vector<16xf32>,
      %parallel_loop3A_150 = tpu.bitcast %parallel_loop3A_124 : vector<16xf32> -> vector<16xi32>
      %parallel_loop3A_151 = arith.constant 32767 : i32
      %parallel_loop3A_152 = vector.broadcast %parallel_loop3A_151 : i32 to vector<16xi32>
      %parallel_loop3A_153 = arith.addi %parallel_loop3A_150, %parallel_loop3A_152 : vector<16xi32>
      %parallel_loop3A_154 = arith.constant 16 : i32
      %parallel_loop3A_155 = vector.broadcast %parallel_loop3A_154 : i32 to vector<16xi32>
      %parallel_loop3A_156 = arith.shrsi %parallel_loop3A_150, %parallel_loop3A_155 : vector<16xi32>
      %parallel_loop3A_157 = arith.constant 1 : i32
      %parallel_loop3A_158 = vector.broadcast %parallel_loop3A_157 : i32 to vector<16xi32>
      %parallel_loop3A_159 = arith.andi %parallel_loop3A_156, %parallel_loop3A_158 : vector<16xi32>
      %parallel_loop3A_160 = arith.addi %parallel_loop3A_153, %parallel_loop3A_159 : vector<16xi32>
      %parallel_loop3A_161 = arith.constant -65536 : i32
      %parallel_loop3A_162 = vector.broadcast %parallel_loop3A_161 : i32 to vector<16xi32>
      %parallel_loop3A_163 = arith.andi %parallel_loop3A_160, %parallel_loop3A_162 : vector<16xi32>
      %parallel_loop3A_164 = tpu.bitcast %parallel_loop3A_163 : vector<16xi32> -> vector<16xf32>
      %parallel_loop3A_165 = tpu.bitcast %parallel_loop3A_129 : vector<16xf32> -> vector<16xi32>
      %parallel_loop3A_166 = arith.constant 32767 : i32
      %parallel_loop3A_167 = vector.broadcast %parallel_loop3A_166 : i32 to vector<16xi32>
      %parallel_loop3A_168 = arith.addi %parallel_loop3A_165, %parallel_loop3A_167 : vector<16xi32>
      %parallel_loop3A_169 = arith.constant 16 : i32
      %parallel_loop3A_170 = vector.broadcast %parallel_loop3A_169 : i32 to vector<16xi32>
      %parallel_loop3A_171 = arith.shrsi %parallel_loop3A_165, %parallel_loop3A_170 : vector<16xi32>
      %parallel_loop3A_172 = arith.constant 1 : i32
      %parallel_loop3A_173 = vector.broadcast %parallel_loop3A_172 : i32 to vector<16xi32>
      %parallel_loop3A_174 = arith.andi %parallel_loop3A_171, %parallel_loop3A_173 : vector<16xi32>
      %parallel_loop3A_175 = arith.addi %parallel_loop3A_168, %parallel_loop3A_174 : vector<16xi32>
      %parallel_loop3A_176 = arith.constant -65536 : i32
      %parallel_loop3A_177 = vector.broadcast %parallel_loop3A_176 : i32 to vector<16xi32>
      %parallel_loop3A_178 = arith.andi %parallel_loop3A_175, %parallel_loop3A_177 : vector<16xi32>
      %parallel_loop3A_179 = tpu.bitcast %parallel_loop3A_178 : vector<16xi32> -> vector<16xf32>
      %parallel_loop3A_180 = tpu.bitcast %parallel_loop3A_134 : vector<16xf32> -> vector<16xi32>
      %parallel_loop3A_181 = arith.constant 32767 : i32
      %parallel_loop3A_182 = vector.broadcast %parallel_loop3A_181 : i32 to vector<16xi32>
      %parallel_loop3A_183 = arith.addi %parallel_loop3A_180, %parallel_loop3A_182 : vector<16xi32>
      %parallel_loop3A_184 = arith.constant 16 : i32
      %parallel_loop3A_185 = vector.broadcast %parallel_loop3A_184 : i32 to vector<16xi32>
      %parallel_loop3A_186 = arith.shrsi %parallel_loop3A_180, %parallel_loop3A_185 : vector<16xi32>
      %parallel_loop3A_187 = arith.constant 1 : i32
      %parallel_loop3A_188 = vector.broadcast %parallel_loop3A_187 : i32 to vector<16xi32>
      %parallel_loop3A_189 = arith.andi %parallel_loop3A_186, %parallel_loop3A_188 : vector<16xi32>
      %parallel_loop3A_190 = arith.addi %parallel_loop3A_183, %parallel_loop3A_189 : vector<16xi32>
      %parallel_loop3A_191 = arith.constant -65536 : i32
      %parallel_loop3A_192 = vector.broadcast %parallel_loop3A_191 : i32 to vector<16xi32>
      %parallel_loop3A_193 = arith.andi %parallel_loop3A_190, %parallel_loop3A_192 : vector<16xi32>
      %parallel_loop3A_194 = tpu.bitcast %parallel_loop3A_193 : vector<16xi32> -> vector<16xf32>
      %parallel_loop3A_195 = tpu.bitcast %parallel_loop3A_139 : vector<16xf32> -> vector<16xi32>
      %parallel_loop3A_196 = arith.constant 32767 : i32
      %parallel_loop3A_197 = vector.broadcast %parallel_loop3A_196 : i32 to vector<16xi32>
      %parallel_loop3A_198 = arith.addi %parallel_loop3A_195, %parallel_loop3A_197 : vector<16xi32>
      %parallel_loop3A_199 = arith.constant 16 : i32
      %parallel_loop3A_200 = vector.broadcast %parallel_loop3A_199 : i32 to vector<16xi32>
      %parallel_loop3A_201 = arith.shrsi %parallel_loop3A_195, %parallel_loop3A_200 : vector<16xi32>
      %parallel_loop3A_202 = arith.constant 1 : i32
      %parallel_loop3A_203 = vector.broadcast %parallel_loop3A_202 : i32 to vector<16xi32>
      %parallel_loop3A_204 = arith.andi %parallel_loop3A_201, %parallel_loop3A_203 : vector<16xi32>
      %parallel_loop3A_205 = arith.addi %parallel_loop3A_198, %parallel_loop3A_204 : vector<16xi32>
      %parallel_loop3A_206 = arith.constant -65536 : i32
      %parallel_loop3A_207 = vector.broadcast %parallel_loop3A_206 : i32 to vector<16xi32>
      %parallel_loop3A_208 = arith.andi %parallel_loop3A_205, %parallel_loop3A_207 : vector<16xi32>
      %parallel_loop3A_209 = tpu.bitcast %parallel_loop3A_208 : vector<16xi32> -> vector<16xf32>
      %parallel_loop3A_210 = tpu.bitcast %parallel_loop3A_144 : vector<16xf32> -> vector<16xi32>
      %parallel_loop3A_211 = arith.constant 32767 : i32
      %parallel_loop3A_212 = vector.broadcast %parallel_loop3A_211 : i32 to vector<16xi32>
      %parallel_loop3A_213 = arith.addi %parallel_loop3A_210, %parallel_loop3A_212 : vector<16xi32>
      %parallel_loop3A_214 = arith.constant 16 : i32
      %parallel_loop3A_215 = vector.broadcast %parallel_loop3A_214 : i32 to vector<16xi32>
      %parallel_loop3A_216 = arith.shrsi %parallel_loop3A_210, %parallel_loop3A_215 : vector<16xi32>
      %parallel_loop3A_217 = arith.constant 1 : i32
      %parallel_loop3A_218 = vector.broadcast %parallel_loop3A_217 : i32 to vector<16xi32>
      %parallel_loop3A_219 = arith.andi %parallel_loop3A_216, %parallel_loop3A_218 : vector<16xi32>
      %parallel_loop3A_220 = arith.addi %parallel_loop3A_213, %parallel_loop3A_219 : vector<16xi32>
      %parallel_loop3A_221 = arith.constant -65536 : i32
      %parallel_loop3A_222 = vector.broadcast %parallel_loop3A_221 : i32 to vector<16xi32>
      %parallel_loop3A_223 = arith.andi %parallel_loop3A_220, %parallel_loop3A_222 : vector<16xi32>
      %parallel_loop3A_224 = tpu.bitcast %parallel_loop3A_223 : vector<16xi32> -> vector<16xf32>
      %parallel_loop3A_225 = tpu.bitcast %parallel_loop3A_149 : vector<16xf32> -> vector<16xi32>
      %parallel_loop3A_226 = arith.constant 32767 : i32
      %parallel_loop3A_227 = vector.broadcast %parallel_loop3A_226 : i32 to vector<16xi32>
      %parallel_loop3A_228 = arith.addi %parallel_loop3A_225, %parallel_loop3A_227 : vector<16xi32>
      %parallel_loop3A_229 = arith.constant 16 : i32
      %parallel_loop3A_230 = vector.broadcast %parallel_loop3A_229 : i32 to vector<16xi32>
      %parallel_loop3A_231 = arith.shrsi %parallel_loop3A_225, %parallel_loop3A_230 : vector<16xi32>
      %parallel_loop3A_232 = arith.constant 1 : i32
      %parallel_loop3A_233 = vector.broadcast %parallel_loop3A_232 : i32 to vector<16xi32>
      %parallel_loop3A_234 = arith.andi %parallel_loop3A_231, %parallel_loop3A_233 : vector<16xi32>
      %parallel_loop3A_235 = arith.addi %parallel_loop3A_228, %parallel_loop3A_234 : vector<16xi32>
      %parallel_loop3A_236 = arith.constant -65536 : i32
      %parallel_loop3A_237 = vector.broadcast %parallel_loop3A_236 : i32 to vector<16xi32>
      %parallel_loop3A_238 = arith.andi %parallel_loop3A_235, %parallel_loop3A_237 : vector<16xi32>
      %parallel_loop3A_239 = tpu.bitcast %parallel_loop3A_238 : vector<16xi32> -> vector<16xf32>
      %parallel_loop3A_240 = vector.extract_strided_slice %bitcast_convert_type3A_47 {offsets = [0], sizes = [1], strides = [1]} : vector<16xf32> to vector<1xf32>
      %parallel_loop3A_241 = vector.extract %parallel_loop3A_240[0] : f32 from vector<1xf32>
      %parallel_loop3A_242 = vector.broadcast %parallel_loop3A_241 : f32 to vector<16xf32>
      %parallel_loop3A_243 = arith.mulf %parallel_loop3A_164, %parallel_loop3A_242 : vector<16xf32>
      %parallel_loop3A_244 = vector.extract_strided_slice %bitcast_convert_type3A_47 {offsets = [1], sizes = [1], strides = [1]} : vector<16xf32> to vector<1xf32>
      %parallel_loop3A_245 = vector.extract %parallel_loop3A_244[0] : f32 from vector<1xf32>
      %parallel_loop3A_246 = vector.broadcast %parallel_loop3A_245 : f32 to vector<16xf32>
      %parallel_loop3A_247 = arith.mulf %parallel_loop3A_179, %parallel_loop3A_246 : vector<16xf32>
      %parallel_loop3A_248 = arith.addf %parallel_loop3A_243, %parallel_loop3A_247 : vector<16xf32>
      %parallel_loop3A_249 = vector.extract_strided_slice %bitcast_convert_type3A_47 {offsets = [2], sizes = [1], strides = [1]} : vector<16xf32> to vector<1xf32>
      %parallel_loop3A_250 = vector.extract %parallel_loop3A_249[0] : f32 from vector<1xf32>
      %parallel_loop3A_251 = vector.broadcast %parallel_loop3A_250 : f32 to vector<16xf32>
      %parallel_loop3A_252 = arith.mulf %parallel_loop3A_194, %parallel_loop3A_251 : vector<16xf32>
      %parallel_loop3A_253 = arith.addf %parallel_loop3A_248, %parallel_loop3A_252 : vector<16xf32>
      %parallel_loop3A_254 = vector.extract_strided_slice %bitcast_convert_type3A_47 {offsets = [3], sizes = [1], strides = [1]} : vector<16xf32> to vector<1xf32>
      %parallel_loop3A_255 = vector.extract %parallel_loop3A_254[0] : f32 from vector<1xf32>
      %parallel_loop3A_256 = vector.broadcast %parallel_loop3A_255 : f32 to vector<16xf32>
      %parallel_loop3A_257 = arith.mulf %parallel_loop3A_209, %parallel_loop3A_256 : vector<16xf32>
      %parallel_loop3A_258 = arith.addf %parallel_loop3A_253, %parallel_loop3A_257 : vector<16xf32>
      %parallel_loop3A_259 = vector.extract_strided_slice %bitcast_convert_type3A_47 {offsets = [4], sizes = [1], strides = [1]} : vector<16xf32> to vector<1xf32>
      %parallel_loop3A_260 = vector.extract %parallel_loop3A_259[0] : f32 from vector<1xf32>
      %parallel_loop3A_261 = vector.broadcast %parallel_loop3A_260 : f32 to vector<16xf32>
      %parallel_loop3A_262 = arith.mulf %parallel_loop3A_224, %parallel_loop3A_261 : vector<16xf32>
      %parallel_loop3A_263 = arith.addf %parallel_loop3A_258, %parallel_loop3A_262 : vector<16xf32>
      %parallel_loop3A_264 = vector.extract_strided_slice %bitcast_convert_type3A_47 {offsets = [5], sizes = [1], strides = [1]} : vector<16xf32> to vector<1xf32>
      %parallel_loop3A_265 = vector.extract %parallel_loop3A_264[0] : f32 from vector<1xf32>
      %parallel_loop3A_266 = vector.broadcast %parallel_loop3A_265 : f32 to vector<16xf32>
      %parallel_loop3A_267 = arith.mulf %parallel_loop3A_239, %parallel_loop3A_266 : vector<16xf32>
      %parallel_loop3A_268 = arith.addf %parallel_loop3A_263, %parallel_loop3A_267 : vector<16xf32>
      %parallel_loop3A_269 = vector.extract_strided_slice %bitcast_convert_type3A_47 {offsets = [6], sizes = [1], strides = [1]} : vector<16xf32> to vector<1xf32>
      %parallel_loop3A_270 = vector.extract %parallel_loop3A_269[0] : f32 from vector<1xf32>
      %parallel_loop3A_271 = vector.broadcast %parallel_loop3A_270 : f32 to vector<16xf32>
      %parallel_loop3A_272 = arith.mulf %parallel_loop3A_164, %parallel_loop3A_271 : vector<16xf32>
      %parallel_loop3A_273 = vector.extract_strided_slice %bitcast_convert_type3A_47 {offsets = [7], sizes = [1], strides = [1]} : vector<16xf32> to vector<1xf32>
      %parallel_loop3A_274 = vector.extract %parallel_loop3A_273[0] : f32 from vector<1xf32>
      %parallel_loop3A_275 = vector.broadcast %parallel_loop3A_274 : f32 to vector<16xf32>
      %parallel_loop3A_276 = arith.mulf %parallel_loop3A_179, %parallel_loop3A_275 : vector<16xf32>
      %parallel_loop3A_277 = arith.addf %parallel_loop3A_272, %parallel_loop3A_276 : vector<16xf32>
      %parallel_loop3A_278 = vector.extract_strided_slice %bitcast_convert_type3A_47 {offsets = [8], sizes = [1], strides = [1]} : vector<16xf32> to vector<1xf32>
      %parallel_loop3A_279 = vector.extract %parallel_loop3A_278[0] : f32 from vector<1xf32>
      %parallel_loop3A_280 = vector.broadcast %parallel_loop3A_279 : f32 to vector<16xf32>
      %parallel_loop3A_281 = arith.mulf %parallel_loop3A_194, %parallel_loop3A_280 : vector<16xf32>
      %parallel_loop3A_282 = arith.addf %parallel_loop3A_277, %parallel_loop3A_281 : vector<16xf32>
      %parallel_loop3A_283 = vector.extract_strided_slice %bitcast_convert_type3A_47 {offsets = [9], sizes = [1], strides = [1]} : vector<16xf32> to vector<1xf32>
      %parallel_loop3A_284 = vector.extract %parallel_loop3A_283[0] : f32 from vector<1xf32>
      %parallel_loop3A_285 = vector.broadcast %parallel_loop3A_284 : f32 to vector<16xf32>
      %parallel_loop3A_286 = arith.mulf %parallel_loop3A_209, %parallel_loop3A_285 : vector<16xf32>
      %parallel_loop3A_287 = arith.addf %parallel_loop3A_282, %parallel_loop3A_286 : vector<16xf32>
      %parallel_loop3A_288 = vector.extract_strided_slice %bitcast_convert_type3A_47 {offsets = [10], sizes = [1], strides = [1]} : vector<16xf32> to vector<1xf32>
      %parallel_loop3A_289 = vector.extract %parallel_loop3A_288[0] : f32 from vector<1xf32>
      %parallel_loop3A_290 = vector.broadcast %parallel_loop3A_289 : f32 to vector<16xf32>
      %parallel_loop3A_291 = arith.mulf %parallel_loop3A_224, %parallel_loop3A_290 : vector<16xf32>
      %parallel_loop3A_292 = arith.addf %parallel_loop3A_287, %parallel_loop3A_291 : vector<16xf32>
      %parallel_loop3A_293 = vector.extract_strided_slice %bitcast_convert_type3A_47 {offsets = [11], sizes = [1], strides = [1]} : vector<16xf32> to vector<1xf32>
      %parallel_loop3A_294 = vector.extract %parallel_loop3A_293[0] : f32 from vector<1xf32>
      %parallel_loop3A_295 = vector.broadcast %parallel_loop3A_294 : f32 to vector<16xf32>
      %parallel_loop3A_296 = arith.mulf %parallel_loop3A_239, %parallel_loop3A_295 : vector<16xf32>
      %parallel_loop3A_297 = arith.addf %parallel_loop3A_292, %parallel_loop3A_296 : vector<16xf32>
      %parallel_loop3A_298 = vector.extract_strided_slice %bitcast_convert_type3A_47 {offsets = [12], sizes = [1], strides = [1]} : vector<16xf32> to vector<1xf32>
      %parallel_loop3A_299 = vector.extract %parallel_loop3A_298[0] : f32 from vector<1xf32>
      %parallel_loop3A_300 = vector.broadcast %parallel_loop3A_299 : f32 to vector<16xf32>
      %parallel_loop3A_301 = arith.mulf %parallel_loop3A_164, %parallel_loop3A_300 : vector<16xf32>
      %parallel_loop3A_302 = vector.extract_strided_slice %bitcast_convert_type3A_47 {offsets = [13], sizes = [1], strides = [1]} : vector<16xf32> to vector<1xf32>
      %parallel_loop3A_303 = vector.extract %parallel_loop3A_302[0] : f32 from vector<1xf32>
      %parallel_loop3A_304 = vector.broadcast %parallel_loop3A_303 : f32 to vector<16xf32>
      %parallel_loop3A_305 = arith.mulf %parallel_loop3A_179, %parallel_loop3A_304 : vector<16xf32>
      %parallel_loop3A_306 = arith.addf %parallel_loop3A_301, %parallel_loop3A_305 : vector<16xf32>
      %parallel_loop3A_307 = vector.extract_strided_slice %bitcast_convert_type3A_47 {offsets = [14], sizes = [1], strides = [1]} : vector<16xf32> to vector<1xf32>
      %parallel_loop3A_308 = vector.extract %parallel_loop3A_307[0] : f32 from vector<1xf32>
      %parallel_loop3A_309 = vector.broadcast %parallel_loop3A_308 : f32 to vector<16xf32>
      %parallel_loop3A_310 = arith.mulf %parallel_loop3A_194, %parallel_loop3A_309 : vector<16xf32>
      %parallel_loop3A_311 = arith.addf %parallel_loop3A_306, %parallel_loop3A_310 : vector<16xf32>
      %parallel_loop3A_312 = vector.extract_strided_slice %bitcast_convert_type3A_47 {offsets = [15], sizes = [1], strides = [1]} : vector<16xf32> to vector<1xf32>
      %parallel_loop3A_313 = vector.extract %parallel_loop3A_312[0] : f32 from vector<1xf32>
      %parallel_loop3A_314 = vector.broadcast %parallel_loop3A_313 : f32 to vector<16xf32>
      %parallel_loop3A_315 = arith.mulf %parallel_loop3A_209, %parallel_loop3A_314 : vector<16xf32>
      %parallel_loop3A_316 = arith.addf %parallel_loop3A_311, %parallel_loop3A_315 : vector<16xf32>
      %parallel_loop3A_317 = vector.extract_strided_slice %bitcast_convert_type3A_62 {offsets = [0], sizes = [1], strides = [1]} : vector<16xf32> to vector<1xf32>
      %parallel_loop3A_318 = vector.extract %parallel_loop3A_317[0] : f32 from vector<1xf32>
      %parallel_loop3A_319 = vector.broadcast %parallel_loop3A_318 : f32 to vector<16xf32>
      %parallel_loop3A_320 = arith.mulf %parallel_loop3A_224, %parallel_loop3A_319 : vector<16xf32>
      %parallel_loop3A_321 = arith.addf %parallel_loop3A_316, %parallel_loop3A_320 : vector<16xf32>
      %parallel_loop3A_322 = vector.extract_strided_slice %bitcast_convert_type3A_62 {offsets = [1], sizes = [1], strides = [1]} : vector<16xf32> to vector<1xf32>
      %parallel_loop3A_323 = vector.extract %parallel_loop3A_322[0] : f32 from vector<1xf32>
      %parallel_loop3A_324 = vector.broadcast %parallel_loop3A_323 : f32 to vector<16xf32>
      %parallel_loop3A_325 = arith.mulf %parallel_loop3A_239, %parallel_loop3A_324 : vector<16xf32>
      %parallel_loop3A_326 = arith.addf %parallel_loop3A_321, %parallel_loop3A_325 : vector<16xf32>
      %parallel_loop3A_327 = arith.maximumf %parallel_loop3A_268, %parallel_loop3A_297 : vector<16xf32>
      %parallel_loop3A_328 = arith.maximumf %parallel_loop3A_327, %parallel_loop3A_326 : vector<16xf32>
      %parallel_loop3A_329 = arith.subf %parallel_loop3A_268, %parallel_loop3A_328 : vector<16xf32>
      %parallel_loop3A_330 = math.exp %parallel_loop3A_329 : vector<16xf32>
      %parallel_loop3A_331 = arith.subf %parallel_loop3A_297, %parallel_loop3A_328 : vector<16xf32>
      %parallel_loop3A_332 = math.exp %parallel_loop3A_331 : vector<16xf32>
      %parallel_loop3A_333 = arith.subf %parallel_loop3A_326, %parallel_loop3A_328 : vector<16xf32>
      %parallel_loop3A_334 = math.exp %parallel_loop3A_333 : vector<16xf32>
      %parallel_loop3A_335 = arith.addf %parallel_loop3A_330, %parallel_loop3A_332 : vector<16xf32>
      %parallel_loop3A_336 = arith.addf %parallel_loop3A_335, %parallel_loop3A_334 : vector<16xf32>
      %parallel_loop3A_337 = arith.constant 1.000000e+00 : f32
      %parallel_loop3A_338 = vector.broadcast %parallel_loop3A_337 : f32 to vector<16xf32>
      %parallel_loop3A_339 = arith.divf %parallel_loop3A_338, %parallel_loop3A_336 : vector<16xf32>
      %parallel_loop3A_340 = arith.mulf %parallel_loop3A_330, %parallel_loop3A_339 : vector<16xf32>
      %parallel_loop3A_341 = arith.mulf %parallel_loop3A_332, %parallel_loop3A_339 : vector<16xf32>
      %parallel_loop3A_342 = arith.mulf %parallel_loop3A_334, %parallel_loop3A_339 : vector<16xf32>
      %parallel_loop3A_343 = arith.cmpf olt, %parallel_loop3A_268, %parallel_loop3A_297 : vector<16xf32>
      %parallel_loop3A_344 = arith.cmpf olt, %parallel_loop3A_268, %parallel_loop3A_326 : vector<16xf32>
      %parallel_loop3A_345 = arith.andi %parallel_loop3A_343, %parallel_loop3A_344 : vector<16xi1>
      %parallel_loop3A_346 = arith.cmpf ole, %parallel_loop3A_297, %parallel_loop3A_268 : vector<16xf32>
      %parallel_loop3A_347 = arith.cmpf olt, %parallel_loop3A_297, %parallel_loop3A_326 : vector<16xf32>
      %parallel_loop3A_348 = arith.andi %parallel_loop3A_346, %parallel_loop3A_347 : vector<16xi1>
      %parallel_loop3A_349 = arith.cmpf ole, %parallel_loop3A_326, %parallel_loop3A_268 : vector<16xf32>
      %parallel_loop3A_350 = arith.cmpf ole, %parallel_loop3A_326, %parallel_loop3A_297 : vector<16xf32>
      %parallel_loop3A_351 = arith.andi %parallel_loop3A_349, %parallel_loop3A_350 : vector<16xi1>
      %parallel_loop3A_352 = arith.constant 0.000000e+00 : f32
      %parallel_loop3A_353 = vector.broadcast %parallel_loop3A_352 : f32 to vector<16xf32>
      %parallel_loop3A_354 = arith.select %parallel_loop3A_345, %parallel_loop3A_353, %parallel_loop3A_340 : vector<16xi1>, vector<16xf32>
      %parallel_loop3A_355 = arith.select %parallel_loop3A_348, %parallel_loop3A_353, %parallel_loop3A_341 : vector<16xi1>, vector<16xf32>
      %parallel_loop3A_356 = arith.select %parallel_loop3A_351, %parallel_loop3A_353, %parallel_loop3A_342 : vector<16xi1>, vector<16xf32>
      %parallel_loop3A_357 = vector.extract_strided_slice %get3A_23 {offsets = [2], sizes = [1], strides = [1]} : vector<16xf32> to vector<1xf32>
      %parallel_loop3A_358 = vector.extract %parallel_loop3A_357[0] : f32 from vector<1xf32>
      %parallel_loop3A_359 = vector.broadcast %parallel_loop3A_358 : f32 to vector<16xf32>
      %parallel_loop3A_360 = arith.mulf %parallel_loop3A_124, %parallel_loop3A_359 : vector<16xf32>
      %parallel_loop3A_361 = vector.extract_strided_slice %get3A_23 {offsets = [8], sizes = [1], strides = [1]} : vector<16xf32> to vector<1xf32>
      %parallel_loop3A_362 = vector.extract %parallel_loop3A_361[0] : f32 from vector<1xf32>
      %parallel_loop3A_363 = vector.broadcast %parallel_loop3A_362 : f32 to vector<16xf32>
      %parallel_loop3A_364 = arith.mulf %parallel_loop3A_129, %parallel_loop3A_363 : vector<16xf32>
      %parallel_loop3A_365 = arith.addf %parallel_loop3A_360, %parallel_loop3A_364 : vector<16xf32>
      %parallel_loop3A_366 = vector.extract_strided_slice %get3A_23 {offsets = [14], sizes = [1], strides = [1]} : vector<16xf32> to vector<1xf32>
      %parallel_loop3A_367 = vector.extract %parallel_loop3A_366[0] : f32 from vector<1xf32>
      %parallel_loop3A_368 = vector.broadcast %parallel_loop3A_367 : f32 to vector<16xf32>
      %parallel_loop3A_369 = arith.mulf %parallel_loop3A_134, %parallel_loop3A_368 : vector<16xf32>
      %parallel_loop3A_370 = arith.addf %parallel_loop3A_365, %parallel_loop3A_369 : vector<16xf32>
      %parallel_loop3A_371 = vector.extract_strided_slice %get3A_25 {offsets = [4], sizes = [1], strides = [1]} : vector<16xf32> to vector<1xf32>
      %parallel_loop3A_372 = vector.extract %parallel_loop3A_371[0] : f32 from vector<1xf32>
      %parallel_loop3A_373 = vector.broadcast %parallel_loop3A_372 : f32 to vector<16xf32>
      %parallel_loop3A_374 = arith.mulf %parallel_loop3A_139, %parallel_loop3A_373 : vector<16xf32>
      %parallel_loop3A_375 = arith.addf %parallel_loop3A_370, %parallel_loop3A_374 : vector<16xf32>
      %parallel_loop3A_376 = vector.extract_strided_slice %get3A_25 {offsets = [10], sizes = [1], strides = [1]} : vector<16xf32> to vector<1xf32>
      %parallel_loop3A_377 = vector.extract %parallel_loop3A_376[0] : f32 from vector<1xf32>
      %parallel_loop3A_378 = vector.broadcast %parallel_loop3A_377 : f32 to vector<16xf32>
      %parallel_loop3A_379 = arith.mulf %parallel_loop3A_144, %parallel_loop3A_378 : vector<16xf32>
      %parallel_loop3A_380 = arith.addf %parallel_loop3A_375, %parallel_loop3A_379 : vector<16xf32>
      %parallel_loop3A_381 = vector.extract_strided_slice %get3A_27 {offsets = [0], sizes = [1], strides = [1]} : vector<16xf32> to vector<1xf32>
      %parallel_loop3A_382 = vector.extract %parallel_loop3A_381[0] : f32 from vector<1xf32>
      %parallel_loop3A_383 = vector.broadcast %parallel_loop3A_382 : f32 to vector<16xf32>
      %parallel_loop3A_384 = arith.mulf %parallel_loop3A_149, %parallel_loop3A_383 : vector<16xf32>
      %parallel_loop3A_385 = arith.addf %parallel_loop3A_380, %parallel_loop3A_384 : vector<16xf32>
      %parallel_loop3A_386 = arith.mulf %parallel_loop3A_354, %parallel_loop3A_385 : vector<16xf32>
      %parallel_loop3A_387 = vector.extract_strided_slice %get3A_27 {offsets = [6], sizes = [1], strides = [1]} : vector<16xf32> to vector<1xf32>
      %parallel_loop3A_388 = vector.extract %parallel_loop3A_387[0] : f32 from vector<1xf32>
      %parallel_loop3A_389 = vector.broadcast %parallel_loop3A_388 : f32 to vector<16xf32>
      %parallel_loop3A_390 = arith.mulf %parallel_loop3A_124, %parallel_loop3A_389 : vector<16xf32>
      %parallel_loop3A_391 = vector.extract_strided_slice %get3A_27 {offsets = [12], sizes = [1], strides = [1]} : vector<16xf32> to vector<1xf32>
      %parallel_loop3A_392 = vector.extract %parallel_loop3A_391[0] : f32 from vector<1xf32>
      %parallel_loop3A_393 = vector.broadcast %parallel_loop3A_392 : f32 to vector<16xf32>
      %parallel_loop3A_394 = arith.mulf %parallel_loop3A_129, %parallel_loop3A_393 : vector<16xf32>
      %parallel_loop3A_395 = arith.addf %parallel_loop3A_390, %parallel_loop3A_394 : vector<16xf32>
      %parallel_loop3A_396 = vector.extract_strided_slice %get3A_29 {offsets = [2], sizes = [1], strides = [1]} : vector<16xf32> to vector<1xf32>
      %parallel_loop3A_397 = vector.extract %parallel_loop3A_396[0] : f32 from vector<1xf32>
      %parallel_loop3A_398 = vector.broadcast %parallel_loop3A_397 : f32 to vector<16xf32>
      %parallel_loop3A_399 = arith.mulf %parallel_loop3A_134, %parallel_loop3A_398 : vector<16xf32>
      %parallel_loop3A_400 = arith.addf %parallel_loop3A_395, %parallel_loop3A_399 : vector<16xf32>
      %parallel_loop3A_401 = vector.extract_strided_slice %get3A_29 {offsets = [8], sizes = [1], strides = [1]} : vector<16xf32> to vector<1xf32>
      %parallel_loop3A_402 = vector.extract %parallel_loop3A_401[0] : f32 from vector<1xf32>
      %parallel_loop3A_403 = vector.broadcast %parallel_loop3A_402 : f32 to vector<16xf32>
      %parallel_loop3A_404 = arith.mulf %parallel_loop3A_139, %parallel_loop3A_403 : vector<16xf32>
      %parallel_loop3A_405 = arith.addf %parallel_loop3A_400, %parallel_loop3A_404 : vector<16xf32>
      %parallel_loop3A_406 = vector.extract_strided_slice %get3A_29 {offsets = [14], sizes = [1], strides = [1]} : vector<16xf32> to vector<1xf32>
      %parallel_loop3A_407 = vector.extract %parallel_loop3A_406[0] : f32 from vector<1xf32>
      %parallel_loop3A_408 = vector.broadcast %parallel_loop3A_407 : f32 to vector<16xf32>
      %parallel_loop3A_409 = arith.mulf %parallel_loop3A_144, %parallel_loop3A_408 : vector<16xf32>
      %parallel_loop3A_410 = arith.addf %parallel_loop3A_405, %parallel_loop3A_409 : vector<16xf32>
      %parallel_loop3A_411 = vector.extract_strided_slice %get3A_31 {offsets = [4], sizes = [1], strides = [1]} : vector<16xf32> to vector<1xf32>
      %parallel_loop3A_412 = vector.extract %parallel_loop3A_411[0] : f32 from vector<1xf32>
      %parallel_loop3A_413 = vector.broadcast %parallel_loop3A_412 : f32 to vector<16xf32>
      %parallel_loop3A_414 = arith.mulf %parallel_loop3A_149, %parallel_loop3A_413 : vector<16xf32>
      %parallel_loop3A_415 = arith.addf %parallel_loop3A_410, %parallel_loop3A_414 : vector<16xf32>
      %parallel_loop3A_416 = arith.mulf %parallel_loop3A_355, %parallel_loop3A_415 : vector<16xf32>
      %parallel_loop3A_417 = arith.addf %parallel_loop3A_386, %parallel_loop3A_416 : vector<16xf32>
      %parallel_loop3A_418 = vector.extract_strided_slice %get3A_31 {offsets = [10], sizes = [1], strides = [1]} : vector<16xf32> to vector<1xf32>
      %parallel_loop3A_419 = vector.extract %parallel_loop3A_418[0] : f32 from vector<1xf32>
      %parallel_loop3A_420 = vector.broadcast %parallel_loop3A_419 : f32 to vector<16xf32>
      %parallel_loop3A_421 = arith.mulf %parallel_loop3A_124, %parallel_loop3A_420 : vector<16xf32>
      %parallel_loop3A_422 = vector.extract_strided_slice %get3A_33 {offsets = [0], sizes = [1], strides = [1]} : vector<16xf32> to vector<1xf32>
      %parallel_loop3A_423 = vector.extract %parallel_loop3A_422[0] : f32 from vector<1xf32>
      %parallel_loop3A_424 = vector.broadcast %parallel_loop3A_423 : f32 to vector<16xf32>
      %parallel_loop3A_425 = arith.mulf %parallel_loop3A_129, %parallel_loop3A_424 : vector<16xf32>
      %parallel_loop3A_426 = arith.addf %parallel_loop3A_421, %parallel_loop3A_425 : vector<16xf32>
      %parallel_loop3A_427 = vector.extract_strided_slice %get3A_33 {offsets = [6], sizes = [1], strides = [1]} : vector<16xf32> to vector<1xf32>
      %parallel_loop3A_428 = vector.extract %parallel_loop3A_427[0] : f32 from vector<1xf32>
      %parallel_loop3A_429 = vector.broadcast %parallel_loop3A_428 : f32 to vector<16xf32>
      %parallel_loop3A_430 = arith.mulf %parallel_loop3A_134, %parallel_loop3A_429 : vector<16xf32>
      %parallel_loop3A_431 = arith.addf %parallel_loop3A_426, %parallel_loop3A_430 : vector<16xf32>
      %parallel_loop3A_432 = vector.extract_strided_slice %get3A_33 {offsets = [12], sizes = [1], strides = [1]} : vector<16xf32> to vector<1xf32>
      %parallel_loop3A_433 = vector.extract %parallel_loop3A_432[0] : f32 from vector<1xf32>
      %parallel_loop3A_434 = vector.broadcast %parallel_loop3A_433 : f32 to vector<16xf32>
      %parallel_loop3A_435 = arith.mulf %parallel_loop3A_139, %parallel_loop3A_434 : vector<16xf32>
      %parallel_loop3A_436 = arith.addf %parallel_loop3A_431, %parallel_loop3A_435 : vector<16xf32>
      %parallel_loop3A_437 = vector.extract_strided_slice %get3A_35 {offsets = [2], sizes = [1], strides = [1]} : vector<16xf32> to vector<1xf32>
      %parallel_loop3A_438 = vector.extract %parallel_loop3A_437[0] : f32 from vector<1xf32>
      %parallel_loop3A_439 = vector.broadcast %parallel_loop3A_438 : f32 to vector<16xf32>
      %parallel_loop3A_440 = arith.mulf %parallel_loop3A_144, %parallel_loop3A_439 : vector<16xf32>
      %parallel_loop3A_441 = arith.addf %parallel_loop3A_436, %parallel_loop3A_440 : vector<16xf32>
      %parallel_loop3A_442 = vector.extract_strided_slice %get3A_35 {offsets = [8], sizes = [1], strides = [1]} : vector<16xf32> to vector<1xf32>
      %parallel_loop3A_443 = vector.extract %parallel_loop3A_442[0] : f32 from vector<1xf32>
      %parallel_loop3A_444 = vector.broadcast %parallel_loop3A_443 : f32 to vector<16xf32>
      %parallel_loop3A_445 = arith.mulf %parallel_loop3A_149, %parallel_loop3A_444 : vector<16xf32>
      %parallel_loop3A_446 = arith.addf %parallel_loop3A_441, %parallel_loop3A_445 : vector<16xf32>
      %parallel_loop3A_447 = arith.mulf %parallel_loop3A_356, %parallel_loop3A_446 : vector<16xf32>
      %parallel_loop3A_448 = arith.addf %parallel_loop3A_417, %parallel_loop3A_447 : vector<16xf32>
      %parallel_loop3A_449 = arith.constant 0 : i32
      %parallel_loop3A_450 = arith.index_cast %parallel_loop3A_449 : i32 to index
      %parallel_loop3A_451 = arith.index_cast %parallel_loop3A_101 : i32 to index
      %parallel_loop3A_452 = arith.index_cast %parallel_loop3A_119 : i32 to index
      %parallel_loop3A_453 = tpu.vector_load %arg7[%parallel_loop3A_450, %parallel_loop3A_451, %parallel_loop3A_452] {strides = array<i32>} : memref<6x8x128xf32, #tpu.memory_space<vmem>>, vector<16xf32>,
      tpu.vector_store %arg7[%parallel_loop3A_450, %parallel_loop3A_451, %parallel_loop3A_452], %parallel_loop3A_448 {strides = array<i32>} : memref<6x8x128xf32, #tpu.memory_space<vmem>>, vector<16xf32>,
      %parallel_loop3A_454 = vector.extract_strided_slice %get3A_23 {offsets = [3], sizes = [1], strides = [1]} : vector<16xf32> to vector<1xf32>
      %parallel_loop3A_455 = vector.extract %parallel_loop3A_454[0] : f32 from vector<1xf32>
      %parallel_loop3A_456 = vector.broadcast %parallel_loop3A_455 : f32 to vector<16xf32>
      %parallel_loop3A_457 = arith.mulf %parallel_loop3A_124, %parallel_loop3A_456 : vector<16xf32>
      %parallel_loop3A_458 = vector.extract_strided_slice %get3A_23 {offsets = [9], sizes = [1], strides = [1]} : vector<16xf32> to vector<1xf32>
      %parallel_loop3A_459 = vector.extract %parallel_loop3A_458[0] : f32 from vector<1xf32>
      %parallel_loop3A_460 = vector.broadcast %parallel_loop3A_459 : f32 to vector<16xf32>
      %parallel_loop3A_461 = arith.mulf %parallel_loop3A_129, %parallel_loop3A_460 : vector<16xf32>
      %parallel_loop3A_462 = arith.addf %parallel_loop3A_457, %parallel_loop3A_461 : vector<16xf32>
      %parallel_loop3A_463 = vector.extract_strided_slice %get3A_23 {offsets = [15], sizes = [1], strides = [1]} : vector<16xf32> to vector<1xf32>
      %parallel_loop3A_464 = vector.extract %parallel_loop3A_463[0] : f32 from vector<1xf32>
      %parallel_loop3A_465 = vector.broadcast %parallel_loop3A_464 : f32 to vector<16xf32>
      %parallel_loop3A_466 = arith.mulf %parallel_loop3A_134, %parallel_loop3A_465 : vector<16xf32>
      %parallel_loop3A_467 = arith.addf %parallel_loop3A_462, %parallel_loop3A_466 : vector<16xf32>
      %parallel_loop3A_468 = vector.extract_strided_slice %get3A_25 {offsets = [5], sizes = [1], strides = [1]} : vector<16xf32> to vector<1xf32>
      %parallel_loop3A_469 = vector.extract %parallel_loop3A_468[0] : f32 from vector<1xf32>
      %parallel_loop3A_470 = vector.broadcast %parallel_loop3A_469 : f32 to vector<16xf32>
      %parallel_loop3A_471 = arith.mulf %parallel_loop3A_139, %parallel_loop3A_470 : vector<16xf32>
      %parallel_loop3A_472 = arith.addf %parallel_loop3A_467, %parallel_loop3A_471 : vector<16xf32>
      %parallel_loop3A_473 = vector.extract_strided_slice %get3A_25 {offsets = [11], sizes = [1], strides = [1]} : vector<16xf32> to vector<1xf32>
      %parallel_loop3A_474 = vector.extract %parallel_loop3A_473[0] : f32 from vector<1xf32>
      %parallel_loop3A_475 = vector.broadcast %parallel_loop3A_474 : f32 to vector<16xf32>
      %parallel_loop3A_476 = arith.mulf %parallel_loop3A_144, %parallel_loop3A_475 : vector<16xf32>
      %parallel_loop3A_477 = arith.addf %parallel_loop3A_472, %parallel_loop3A_476 : vector<16xf32>
      %parallel_loop3A_478 = vector.extract_strided_slice %get3A_27 {offsets = [1], sizes = [1], strides = [1]} : vector<16xf32> to vector<1xf32>
      %parallel_loop3A_479 = vector.extract %parallel_loop3A_478[0] : f32 from vector<1xf32>
      %parallel_loop3A_480 = vector.broadcast %parallel_loop3A_479 : f32 to vector<16xf32>
      %parallel_loop3A_481 = arith.mulf %parallel_loop3A_149, %parallel_loop3A_480 : vector<16xf32>
      %parallel_loop3A_482 = arith.addf %parallel_loop3A_477, %parallel_loop3A_481 : vector<16xf32>
      %parallel_loop3A_483 = arith.mulf %parallel_loop3A_354, %parallel_loop3A_482 : vector<16xf32>
      %parallel_loop3A_484 = vector.extract_strided_slice %get3A_27 {offsets = [7], sizes = [1], strides = [1]} : vector<16xf32> to vector<1xf32>
      %parallel_loop3A_485 = vector.extract %parallel_loop3A_484[0] : f32 from vector<1xf32>
      %parallel_loop3A_486 = vector.broadcast %parallel_loop3A_485 : f32 to vector<16xf32>
      %parallel_loop3A_487 = arith.mulf %parallel_loop3A_124, %parallel_loop3A_486 : vector<16xf32>
      %parallel_loop3A_488 = vector.extract_strided_slice %get3A_27 {offsets = [13], sizes = [1], strides = [1]} : vector<16xf32> to vector<1xf32>
      %parallel_loop3A_489 = vector.extract %parallel_loop3A_488[0] : f32 from vector<1xf32>
      %parallel_loop3A_490 = vector.broadcast %parallel_loop3A_489 : f32 to vector<16xf32>
      %parallel_loop3A_491 = arith.mulf %parallel_loop3A_129, %parallel_loop3A_490 : vector<16xf32>
      %parallel_loop3A_492 = arith.addf %parallel_loop3A_487, %parallel_loop3A_491 : vector<16xf32>
      %parallel_loop3A_493 = vector.extract_strided_slice %get3A_29 {offsets = [3], sizes = [1], strides = [1]} : vector<16xf32> to vector<1xf32>
      %parallel_loop3A_494 = vector.extract %parallel_loop3A_493[0] : f32 from vector<1xf32>
      %parallel_loop3A_495 = vector.broadcast %parallel_loop3A_494 : f32 to vector<16xf32>
      %parallel_loop3A_496 = arith.mulf %parallel_loop3A_134, %parallel_loop3A_495 : vector<16xf32>
      %parallel_loop3A_497 = arith.addf %parallel_loop3A_492, %parallel_loop3A_496 : vector<16xf32>
      %parallel_loop3A_498 = vector.extract_strided_slice %get3A_29 {offsets = [9], sizes = [1], strides = [1]} : vector<16xf32> to vector<1xf32>
      %parallel_loop3A_499 = vector.extract %parallel_loop3A_498[0] : f32 from vector<1xf32>
      %parallel_loop3A_500 = vector.broadcast %parallel_loop3A_499 : f32 to vector<16xf32>
      %parallel_loop3A_501 = arith.mulf %parallel_loop3A_139, %parallel_loop3A_500 : vector<16xf32>
      %parallel_loop3A_502 = arith.addf %parallel_loop3A_497, %parallel_loop3A_501 : vector<16xf32>
      %parallel_loop3A_503 = vector.extract_strided_slice %get3A_29 {offsets = [15], sizes = [1], strides = [1]} : vector<16xf32> to vector<1xf32>
      %parallel_loop3A_504 = vector.extract %parallel_loop3A_503[0] : f32 from vector<1xf32>
      %parallel_loop3A_505 = vector.broadcast %parallel_loop3A_504 : f32 to vector<16xf32>
      %parallel_loop3A_506 = arith.mulf %parallel_loop3A_144, %parallel_loop3A_505 : vector<16xf32>
      %parallel_loop3A_507 = arith.addf %parallel_loop3A_502, %parallel_loop3A_506 : vector<16xf32>
      %parallel_loop3A_508 = vector.extract_strided_slice %get3A_31 {offsets = [5], sizes = [1], strides = [1]} : vector<16xf32> to vector<1xf32>
      %parallel_loop3A_509 = vector.extract %parallel_loop3A_508[0] : f32 from vector<1xf32>
      %parallel_loop3A_510 = vector.broadcast %parallel_loop3A_509 : f32 to vector<16xf32>
      %parallel_loop3A_511 = arith.mulf %parallel_loop3A_149, %parallel_loop3A_510 : vector<16xf32>
      %parallel_loop3A_512 = arith.addf %parallel_loop3A_507, %parallel_loop3A_511 : vector<16xf32>
      %parallel_loop3A_513 = arith.mulf %parallel_loop3A_355, %parallel_loop3A_512 : vector<16xf32>
      %parallel_loop3A_514 = arith.addf %parallel_loop3A_483, %parallel_loop3A_513 : vector<16xf32>
      %parallel_loop3A_515 = vector.extract_strided_slice %get3A_31 {offsets = [11], sizes = [1], strides = [1]} : vector<16xf32> to vector<1xf32>
      %parallel_loop3A_516 = vector.extract %parallel_loop3A_515[0] : f32 from vector<1xf32>
      %parallel_loop3A_517 = vector.broadcast %parallel_loop3A_516 : f32 to vector<16xf32>
      %parallel_loop3A_518 = arith.mulf %parallel_loop3A_124, %parallel_loop3A_517 : vector<16xf32>
      %parallel_loop3A_519 = vector.extract_strided_slice %get3A_33 {offsets = [1], sizes = [1], strides = [1]} : vector<16xf32> to vector<1xf32>
      %parallel_loop3A_520 = vector.extract %parallel_loop3A_519[0] : f32 from vector<1xf32>
      %parallel_loop3A_521 = vector.broadcast %parallel_loop3A_520 : f32 to vector<16xf32>
      %parallel_loop3A_522 = arith.mulf %parallel_loop3A_129, %parallel_loop3A_521 : vector<16xf32>
      %parallel_loop3A_523 = arith.addf %parallel_loop3A_518, %parallel_loop3A_522 : vector<16xf32>
      %parallel_loop3A_524 = vector.extract_strided_slice %get3A_33 {offsets = [7], sizes = [1], strides = [1]} : vector<16xf32> to vector<1xf32>
      %parallel_loop3A_525 = vector.extract %parallel_loop3A_524[0] : f32 from vector<1xf32>
      %parallel_loop3A_526 = vector.broadcast %parallel_loop3A_525 : f32 to vector<16xf32>
      %parallel_loop3A_527 = arith.mulf %parallel_loop3A_134, %parallel_loop3A_526 : vector<16xf32>
      %parallel_loop3A_528 = arith.addf %parallel_loop3A_523, %parallel_loop3A_527 : vector<16xf32>
      %parallel_loop3A_529 = vector.extract_strided_slice %get3A_33 {offsets = [13], sizes = [1], strides = [1]} : vector<16xf32> to vector<1xf32>
      %parallel_loop3A_530 = vector.extract %parallel_loop3A_529[0] : f32 from vector<1xf32>
      %parallel_loop3A_531 = vector.broadcast %parallel_loop3A_530 : f32 to vector<16xf32>
      %parallel_loop3A_532 = arith.mulf %parallel_loop3A_139, %parallel_loop3A_531 : vector<16xf32>
      %parallel_loop3A_533 = arith.addf %parallel_loop3A_528, %parallel_loop3A_532 : vector<16xf32>
      %parallel_loop3A_534 = vector.extract_strided_slice %get3A_35 {offsets = [3], sizes = [1], strides = [1]} : vector<16xf32> to vector<1xf32>
      %parallel_loop3A_535 = vector.extract %parallel_loop3A_534[0] : f32 from vector<1xf32>
      %parallel_loop3A_536 = vector.broadcast %parallel_loop3A_535 : f32 to vector<16xf32>
      %parallel_loop3A_537 = arith.mulf %parallel_loop3A_144, %parallel_loop3A_536 : vector<16xf32>
      %parallel_loop3A_538 = arith.addf %parallel_loop3A_533, %parallel_loop3A_537 : vector<16xf32>
      %parallel_loop3A_539 = vector.extract_strided_slice %get3A_35 {offsets = [9], sizes = [1], strides = [1]} : vector<16xf32> to vector<1xf32>
      %parallel_loop3A_540 = vector.extract %parallel_loop3A_539[0] : f32 from vector<1xf32>
      %parallel_loop3A_541 = vector.broadcast %parallel_loop3A_540 : f32 to vector<16xf32>
      %parallel_loop3A_542 = arith.mulf %parallel_loop3A_149, %parallel_loop3A_541 : vector<16xf32>
      %parallel_loop3A_543 = arith.addf %parallel_loop3A_538, %parallel_loop3A_542 : vector<16xf32>
      %parallel_loop3A_544 = arith.mulf %parallel_loop3A_356, %parallel_loop3A_543 : vector<16xf32>
      %parallel_loop3A_545 = arith.addf %parallel_loop3A_514, %parallel_loop3A_544 : vector<16xf32>
      %parallel_loop3A_546 = arith.constant 1 : i32
      %parallel_loop3A_547 = arith.index_cast %parallel_loop3A_546 : i32 to index
      %parallel_loop3A_548 = arith.index_cast %parallel_loop3A_101 : i32 to index
      %parallel_loop3A_549 = arith.index_cast %parallel_loop3A_119 : i32 to index
      %parallel_loop3A_550 = tpu.vector_load %arg7[%parallel_loop3A_547, %parallel_loop3A_548, %parallel_loop3A_549] {strides = array<i32>} : memref<6x8x128xf32, #tpu.memory_space<vmem>>, vector<16xf32>,
      tpu.vector_store %arg7[%parallel_loop3A_547, %parallel_loop3A_548, %parallel_loop3A_549], %parallel_loop3A_545 {strides = array<i32>} : memref<6x8x128xf32, #tpu.memory_space<vmem>>, vector<16xf32>,
      %parallel_loop3A_551 = vector.extract_strided_slice %get3A_23 {offsets = [4], sizes = [1], strides = [1]} : vector<16xf32> to vector<1xf32>
      %parallel_loop3A_552 = vector.extract %parallel_loop3A_551[0] : f32 from vector<1xf32>
      %parallel_loop3A_553 = vector.broadcast %parallel_loop3A_552 : f32 to vector<16xf32>
      %parallel_loop3A_554 = arith.mulf %parallel_loop3A_124, %parallel_loop3A_553 : vector<16xf32>
      %parallel_loop3A_555 = vector.extract_strided_slice %get3A_23 {offsets = [10], sizes = [1], strides = [1]} : vector<16xf32> to vector<1xf32>
      %parallel_loop3A_556 = vector.extract %parallel_loop3A_555[0] : f32 from vector<1xf32>
      %parallel_loop3A_557 = vector.broadcast %parallel_loop3A_556 : f32 to vector<16xf32>
      %parallel_loop3A_558 = arith.mulf %parallel_loop3A_129, %parallel_loop3A_557 : vector<16xf32>
      %parallel_loop3A_559 = arith.addf %parallel_loop3A_554, %parallel_loop3A_558 : vector<16xf32>
      %parallel_loop3A_560 = vector.extract_strided_slice %get3A_25 {offsets = [0], sizes = [1], strides = [1]} : vector<16xf32> to vector<1xf32>
      %parallel_loop3A_561 = vector.extract %parallel_loop3A_560[0] : f32 from vector<1xf32>
      %parallel_loop3A_562 = vector.broadcast %parallel_loop3A_561 : f32 to vector<16xf32>
      %parallel_loop3A_563 = arith.mulf %parallel_loop3A_134, %parallel_loop3A_562 : vector<16xf32>
      %parallel_loop3A_564 = arith.addf %parallel_loop3A_559, %parallel_loop3A_563 : vector<16xf32>
      %parallel_loop3A_565 = vector.extract_strided_slice %get3A_25 {offsets = [6], sizes = [1], strides = [1]} : vector<16xf32> to vector<1xf32>
      %parallel_loop3A_566 = vector.extract %parallel_loop3A_565[0] : f32 from vector<1xf32>
      %parallel_loop3A_567 = vector.broadcast %parallel_loop3A_566 : f32 to vector<16xf32>
      %parallel_loop3A_568 = arith.mulf %parallel_loop3A_139, %parallel_loop3A_567 : vector<16xf32>
      %parallel_loop3A_569 = arith.addf %parallel_loop3A_564, %parallel_loop3A_568 : vector<16xf32>
      %parallel_loop3A_570 = vector.extract_strided_slice %get3A_25 {offsets = [12], sizes = [1], strides = [1]} : vector<16xf32> to vector<1xf32>
      %parallel_loop3A_571 = vector.extract %parallel_loop3A_570[0] : f32 from vector<1xf32>
      %parallel_loop3A_572 = vector.broadcast %parallel_loop3A_571 : f32 to vector<16xf32>
      %parallel_loop3A_573 = arith.mulf %parallel_loop3A_144, %parallel_loop3A_572 : vector<16xf32>
      %parallel_loop3A_574 = arith.addf %parallel_loop3A_569, %parallel_loop3A_573 : vector<16xf32>
      %parallel_loop3A_575 = vector.extract_strided_slice %get3A_27 {offsets = [2], sizes = [1], strides = [1]} : vector<16xf32> to vector<1xf32>
      %parallel_loop3A_576 = vector.extract %parallel_loop3A_575[0] : f32 from vector<1xf32>
      %parallel_loop3A_577 = vector.broadcast %parallel_loop3A_576 : f32 to vector<16xf32>
      %parallel_loop3A_578 = arith.mulf %parallel_loop3A_149, %parallel_loop3A_577 : vector<16xf32>
      %parallel_loop3A_579 = arith.addf %parallel_loop3A_574, %parallel_loop3A_578 : vector<16xf32>
      %parallel_loop3A_580 = arith.mulf %parallel_loop3A_354, %parallel_loop3A_579 : vector<16xf32>
      %parallel_loop3A_581 = vector.extract_strided_slice %get3A_27 {offsets = [8], sizes = [1], strides = [1]} : vector<16xf32> to vector<1xf32>
      %parallel_loop3A_582 = vector.extract %parallel_loop3A_581[0] : f32 from vector<1xf32>
      %parallel_loop3A_583 = vector.broadcast %parallel_loop3A_582 : f32 to vector<16xf32>
      %parallel_loop3A_584 = arith.mulf %parallel_loop3A_124, %parallel_loop3A_583 : vector<16xf32>
      %parallel_loop3A_585 = vector.extract_strided_slice %get3A_27 {offsets = [14], sizes = [1], strides = [1]} : vector<16xf32> to vector<1xf32>
      %parallel_loop3A_586 = vector.extract %parallel_loop3A_585[0] : f32 from vector<1xf32>
      %parallel_loop3A_587 = vector.broadcast %parallel_loop3A_586 : f32 to vector<16xf32>
      %parallel_loop3A_588 = arith.mulf %parallel_loop3A_129, %parallel_loop3A_587 : vector<16xf32>
      %parallel_loop3A_589 = arith.addf %parallel_loop3A_584, %parallel_loop3A_588 : vector<16xf32>
      %parallel_loop3A_590 = vector.extract_strided_slice %get3A_29 {offsets = [4], sizes = [1], strides = [1]} : vector<16xf32> to vector<1xf32>
      %parallel_loop3A_591 = vector.extract %parallel_loop3A_590[0] : f32 from vector<1xf32>
      %parallel_loop3A_592 = vector.broadcast %parallel_loop3A_591 : f32 to vector<16xf32>
      %parallel_loop3A_593 = arith.mulf %parallel_loop3A_134, %parallel_loop3A_592 : vector<16xf32>
      %parallel_loop3A_594 = arith.addf %parallel_loop3A_589, %parallel_loop3A_593 : vector<16xf32>
      %parallel_loop3A_595 = vector.extract_strided_slice %get3A_29 {offsets = [10], sizes = [1], strides = [1]} : vector<16xf32> to vector<1xf32>
      %parallel_loop3A_596 = vector.extract %parallel_loop3A_595[0] : f32 from vector<1xf32>
      %parallel_loop3A_597 = vector.broadcast %parallel_loop3A_596 : f32 to vector<16xf32>
      %parallel_loop3A_598 = arith.mulf %parallel_loop3A_139, %parallel_loop3A_597 : vector<16xf32>
      %parallel_loop3A_599 = arith.addf %parallel_loop3A_594, %parallel_loop3A_598 : vector<16xf32>
      %parallel_loop3A_600 = vector.extract_strided_slice %get3A_31 {offsets = [0], sizes = [1], strides = [1]} : vector<16xf32> to vector<1xf32>
      %parallel_loop3A_601 = vector.extract %parallel_loop3A_600[0] : f32 from vector<1xf32>
      %parallel_loop3A_602 = vector.broadcast %parallel_loop3A_601 : f32 to vector<16xf32>
      %parallel_loop3A_603 = arith.mulf %parallel_loop3A_144, %parallel_loop3A_602 : vector<16xf32>
      %parallel_loop3A_604 = arith.addf %parallel_loop3A_599, %parallel_loop3A_603 : vector<16xf32>
      %parallel_loop3A_605 = vector.extract_strided_slice %get3A_31 {offsets = [6], sizes = [1], strides = [1]} : vector<16xf32> to vector<1xf32>
      %parallel_loop3A_606 = vector.extract %parallel_loop3A_605[0] : f32 from vector<1xf32>
      %parallel_loop3A_607 = vector.broadcast %parallel_loop3A_606 : f32 to vector<16xf32>
      %parallel_loop3A_608 = arith.mulf %parallel_loop3A_149, %parallel_loop3A_607 : vector<16xf32>
      %parallel_loop3A_609 = arith.addf %parallel_loop3A_604, %parallel_loop3A_608 : vector<16xf32>
      %parallel_loop3A_610 = arith.mulf %parallel_loop3A_355, %parallel_loop3A_609 : vector<16xf32>
      %parallel_loop3A_611 = arith.addf %parallel_loop3A_580, %parallel_loop3A_610 : vector<16xf32>
      %parallel_loop3A_612 = vector.extract_strided_slice %get3A_31 {offsets = [12], sizes = [1], strides = [1]} : vector<16xf32> to vector<1xf32>
      %parallel_loop3A_613 = vector.extract %parallel_loop3A_612[0] : f32 from vector<1xf32>
      %parallel_loop3A_614 = vector.broadcast %parallel_loop3A_613 : f32 to vector<16xf32>
      %parallel_loop3A_615 = arith.mulf %parallel_loop3A_124, %parallel_loop3A_614 : vector<16xf32>
      %parallel_loop3A_616 = vector.extract_strided_slice %get3A_33 {offsets = [2], sizes = [1], strides = [1]} : vector<16xf32> to vector<1xf32>
      %parallel_loop3A_617 = vector.extract %parallel_loop3A_616[0] : f32 from vector<1xf32>
      %parallel_loop3A_618 = vector.broadcast %parallel_loop3A_617 : f32 to vector<16xf32>
      %parallel_loop3A_619 = arith.mulf %parallel_loop3A_129, %parallel_loop3A_618 : vector<16xf32>
      %parallel_loop3A_620 = arith.addf %parallel_loop3A_615, %parallel_loop3A_619 : vector<16xf32>
      %parallel_loop3A_621 = vector.extract_strided_slice %get3A_33 {offsets = [8], sizes = [1], strides = [1]} : vector<16xf32> to vector<1xf32>
      %parallel_loop3A_622 = vector.extract %parallel_loop3A_621[0] : f32 from vector<1xf32>
      %parallel_loop3A_623 = vector.broadcast %parallel_loop3A_622 : f32 to vector<16xf32>
      %parallel_loop3A_624 = arith.mulf %parallel_loop3A_134, %parallel_loop3A_623 : vector<16xf32>
      %parallel_loop3A_625 = arith.addf %parallel_loop3A_620, %parallel_loop3A_624 : vector<16xf32>
      %parallel_loop3A_626 = vector.extract_strided_slice %get3A_33 {offsets = [14], sizes = [1], strides = [1]} : vector<16xf32> to vector<1xf32>
      %parallel_loop3A_627 = vector.extract %parallel_loop3A_626[0] : f32 from vector<1xf32>
      %parallel_loop3A_628 = vector.broadcast %parallel_loop3A_627 : f32 to vector<16xf32>
      %parallel_loop3A_629 = arith.mulf %parallel_loop3A_139, %parallel_loop3A_628 : vector<16xf32>
      %parallel_loop3A_630 = arith.addf %parallel_loop3A_625, %parallel_loop3A_629 : vector<16xf32>
      %parallel_loop3A_631 = vector.extract_strided_slice %get3A_35 {offsets = [4], sizes = [1], strides = [1]} : vector<16xf32> to vector<1xf32>
      %parallel_loop3A_632 = vector.extract %parallel_loop3A_631[0] : f32 from vector<1xf32>
      %parallel_loop3A_633 = vector.broadcast %parallel_loop3A_632 : f32 to vector<16xf32>
      %parallel_loop3A_634 = arith.mulf %parallel_loop3A_144, %parallel_loop3A_633 : vector<16xf32>
      %parallel_loop3A_635 = arith.addf %parallel_loop3A_630, %parallel_loop3A_634 : vector<16xf32>
      %parallel_loop3A_636 = vector.extract_strided_slice %get3A_35 {offsets = [10], sizes = [1], strides = [1]} : vector<16xf32> to vector<1xf32>
      %parallel_loop3A_637 = vector.extract %parallel_loop3A_636[0] : f32 from vector<1xf32>
      %parallel_loop3A_638 = vector.broadcast %parallel_loop3A_637 : f32 to vector<16xf32>
      %parallel_loop3A_639 = arith.mulf %parallel_loop3A_149, %parallel_loop3A_638 : vector<16xf32>
      %parallel_loop3A_640 = arith.addf %parallel_loop3A_635, %parallel_loop3A_639 : vector<16xf32>
      %parallel_loop3A_641 = arith.mulf %parallel_loop3A_356, %parallel_loop3A_640 : vector<16xf32>
      %parallel_loop3A_642 = arith.addf %parallel_loop3A_611, %parallel_loop3A_641 : vector<16xf32>
      %parallel_loop3A_643 = arith.constant 2 : i32
      %parallel_loop3A_644 = arith.index_cast %parallel_loop3A_643 : i32 to index
      %parallel_loop3A_645 = arith.index_cast %parallel_loop3A_101 : i32 to index
      %parallel_loop3A_646 = arith.index_cast %parallel_loop3A_119 : i32 to index
      %parallel_loop3A_647 = tpu.vector_load %arg7[%parallel_loop3A_644, %parallel_loop3A_645, %parallel_loop3A_646] {strides = array<i32>} : memref<6x8x128xf32, #tpu.memory_space<vmem>>, vector<16xf32>,
      tpu.vector_store %arg7[%parallel_loop3A_644, %parallel_loop3A_645, %parallel_loop3A_646], %parallel_loop3A_642 {strides = array<i32>} : memref<6x8x128xf32, #tpu.memory_space<vmem>>, vector<16xf32>,
      %parallel_loop3A_648 = vector.extract_strided_slice %get3A_23 {offsets = [5], sizes = [1], strides = [1]} : vector<16xf32> to vector<1xf32>
      %parallel_loop3A_649 = vector.extract %parallel_loop3A_648[0] : f32 from vector<1xf32>
      %parallel_loop3A_650 = vector.broadcast %parallel_loop3A_649 : f32 to vector<16xf32>
      %parallel_loop3A_651 = arith.mulf %parallel_loop3A_124, %parallel_loop3A_650 : vector<16xf32>
      %parallel_loop3A_652 = vector.extract_strided_slice %get3A_23 {offsets = [11], sizes = [1], strides = [1]} : vector<16xf32> to vector<1xf32>
      %parallel_loop3A_653 = vector.extract %parallel_loop3A_652[0] : f32 from vector<1xf32>
      %parallel_loop3A_654 = vector.broadcast %parallel_loop3A_653 : f32 to vector<16xf32>
      %parallel_loop3A_655 = arith.mulf %parallel_loop3A_129, %parallel_loop3A_654 : vector<16xf32>
      %parallel_loop3A_656 = arith.addf %parallel_loop3A_651, %parallel_loop3A_655 : vector<16xf32>
      %parallel_loop3A_657 = vector.extract_strided_slice %get3A_25 {offsets = [1], sizes = [1], strides = [1]} : vector<16xf32> to vector<1xf32>
      %parallel_loop3A_658 = vector.extract %parallel_loop3A_657[0] : f32 from vector<1xf32>
      %parallel_loop3A_659 = vector.broadcast %parallel_loop3A_658 : f32 to vector<16xf32>
      %parallel_loop3A_660 = arith.mulf %parallel_loop3A_134, %parallel_loop3A_659 : vector<16xf32>
      %parallel_loop3A_661 = arith.addf %parallel_loop3A_656, %parallel_loop3A_660 : vector<16xf32>
      %parallel_loop3A_662 = vector.extract_strided_slice %get3A_25 {offsets = [7], sizes = [1], strides = [1]} : vector<16xf32> to vector<1xf32>
      %parallel_loop3A_663 = vector.extract %parallel_loop3A_662[0] : f32 from vector<1xf32>
      %parallel_loop3A_664 = vector.broadcast %parallel_loop3A_663 : f32 to vector<16xf32>
      %parallel_loop3A_665 = arith.mulf %parallel_loop3A_139, %parallel_loop3A_664 : vector<16xf32>
      %parallel_loop3A_666 = arith.addf %parallel_loop3A_661, %parallel_loop3A_665 : vector<16xf32>
      %parallel_loop3A_667 = vector.extract_strided_slice %get3A_25 {offsets = [13], sizes = [1], strides = [1]} : vector<16xf32> to vector<1xf32>
      %parallel_loop3A_668 = vector.extract %parallel_loop3A_667[0] : f32 from vector<1xf32>
      %parallel_loop3A_669 = vector.broadcast %parallel_loop3A_668 : f32 to vector<16xf32>
      %parallel_loop3A_670 = arith.mulf %parallel_loop3A_144, %parallel_loop3A_669 : vector<16xf32>
      %parallel_loop3A_671 = arith.addf %parallel_loop3A_666, %parallel_loop3A_670 : vector<16xf32>
      %parallel_loop3A_672 = vector.extract_strided_slice %get3A_27 {offsets = [3], sizes = [1], strides = [1]} : vector<16xf32> to vector<1xf32>
      %parallel_loop3A_673 = vector.extract %parallel_loop3A_672[0] : f32 from vector<1xf32>
      %parallel_loop3A_674 = vector.broadcast %parallel_loop3A_673 : f32 to vector<16xf32>
      %parallel_loop3A_675 = arith.mulf %parallel_loop3A_149, %parallel_loop3A_674 : vector<16xf32>
      %parallel_loop3A_676 = arith.addf %parallel_loop3A_671, %parallel_loop3A_675 : vector<16xf32>
      %parallel_loop3A_677 = arith.mulf %parallel_loop3A_354, %parallel_loop3A_676 : vector<16xf32>
      %parallel_loop3A_678 = vector.extract_strided_slice %get3A_27 {offsets = [9], sizes = [1], strides = [1]} : vector<16xf32> to vector<1xf32>
      %parallel_loop3A_679 = vector.extract %parallel_loop3A_678[0] : f32 from vector<1xf32>
      %parallel_loop3A_680 = vector.broadcast %parallel_loop3A_679 : f32 to vector<16xf32>
      %parallel_loop3A_681 = arith.mulf %parallel_loop3A_124, %parallel_loop3A_680 : vector<16xf32>
      %parallel_loop3A_682 = vector.extract_strided_slice %get3A_27 {offsets = [15], sizes = [1], strides = [1]} : vector<16xf32> to vector<1xf32>
      %parallel_loop3A_683 = vector.extract %parallel_loop3A_682[0] : f32 from vector<1xf32>
      %parallel_loop3A_684 = vector.broadcast %parallel_loop3A_683 : f32 to vector<16xf32>
      %parallel_loop3A_685 = arith.mulf %parallel_loop3A_129, %parallel_loop3A_684 : vector<16xf32>
      %parallel_loop3A_686 = arith.addf %parallel_loop3A_681, %parallel_loop3A_685 : vector<16xf32>
      %parallel_loop3A_687 = vector.extract_strided_slice %get3A_29 {offsets = [5], sizes = [1], strides = [1]} : vector<16xf32> to vector<1xf32>
      %parallel_loop3A_688 = vector.extract %parallel_loop3A_687[0] : f32 from vector<1xf32>
      %parallel_loop3A_689 = vector.broadcast %parallel_loop3A_688 : f32 to vector<16xf32>
      %parallel_loop3A_690 = arith.mulf %parallel_loop3A_134, %parallel_loop3A_689 : vector<16xf32>
      %parallel_loop3A_691 = arith.addf %parallel_loop3A_686, %parallel_loop3A_690 : vector<16xf32>
      %parallel_loop3A_692 = vector.extract_strided_slice %get3A_29 {offsets = [11], sizes = [1], strides = [1]} : vector<16xf32> to vector<1xf32>
      %parallel_loop3A_693 = vector.extract %parallel_loop3A_692[0] : f32 from vector<1xf32>
      %parallel_loop3A_694 = vector.broadcast %parallel_loop3A_693 : f32 to vector<16xf32>
      %parallel_loop3A_695 = arith.mulf %parallel_loop3A_139, %parallel_loop3A_694 : vector<16xf32>
      %parallel_loop3A_696 = arith.addf %parallel_loop3A_691, %parallel_loop3A_695 : vector<16xf32>
      %parallel_loop3A_697 = vector.extract_strided_slice %get3A_31 {offsets = [1], sizes = [1], strides = [1]} : vector<16xf32> to vector<1xf32>
      %parallel_loop3A_698 = vector.extract %parallel_loop3A_697[0] : f32 from vector<1xf32>
      %parallel_loop3A_699 = vector.broadcast %parallel_loop3A_698 : f32 to vector<16xf32>
      %parallel_loop3A_700 = arith.mulf %parallel_loop3A_144, %parallel_loop3A_699 : vector<16xf32>
      %parallel_loop3A_701 = arith.addf %parallel_loop3A_696, %parallel_loop3A_700 : vector<16xf32>
      %parallel_loop3A_702 = vector.extract_strided_slice %get3A_31 {offsets = [7], sizes = [1], strides = [1]} : vector<16xf32> to vector<1xf32>
      %parallel_loop3A_703 = vector.extract %parallel_loop3A_702[0] : f32 from vector<1xf32>
      %parallel_loop3A_704 = vector.broadcast %parallel_loop3A_703 : f32 to vector<16xf32>
      %parallel_loop3A_705 = arith.mulf %parallel_loop3A_149, %parallel_loop3A_704 : vector<16xf32>
      %parallel_loop3A_706 = arith.addf %parallel_loop3A_701, %parallel_loop3A_705 : vector<16xf32>
      %parallel_loop3A_707 = arith.mulf %parallel_loop3A_355, %parallel_loop3A_706 : vector<16xf32>
      %parallel_loop3A_708 = arith.addf %parallel_loop3A_677, %parallel_loop3A_707 : vector<16xf32>
      %parallel_loop3A_709 = vector.extract_strided_slice %get3A_31 {offsets = [13], sizes = [1], strides = [1]} : vector<16xf32> to vector<1xf32>
      %parallel_loop3A_710 = vector.extract %parallel_loop3A_709[0] : f32 from vector<1xf32>
      %parallel_loop3A_711 = vector.broadcast %parallel_loop3A_710 : f32 to vector<16xf32>
      %parallel_loop3A_712 = arith.mulf %parallel_loop3A_124, %parallel_loop3A_711 : vector<16xf32>
      %parallel_loop3A_713 = vector.extract_strided_slice %get3A_33 {offsets = [3], sizes = [1], strides = [1]} : vector<16xf32> to vector<1xf32>
      %parallel_loop3A_714 = vector.extract %parallel_loop3A_713[0] : f32 from vector<1xf32>
      %parallel_loop3A_715 = vector.broadcast %parallel_loop3A_714 : f32 to vector<16xf32>
      %parallel_loop3A_716 = arith.mulf %parallel_loop3A_129, %parallel_loop3A_715 : vector<16xf32>
      %parallel_loop3A_717 = arith.addf %parallel_loop3A_712, %parallel_loop3A_716 : vector<16xf32>
      %parallel_loop3A_718 = vector.extract_strided_slice %get3A_33 {offsets = [9], sizes = [1], strides = [1]} : vector<16xf32> to vector<1xf32>
      %parallel_loop3A_719 = vector.extract %parallel_loop3A_718[0] : f32 from vector<1xf32>
      %parallel_loop3A_720 = vector.broadcast %parallel_loop3A_719 : f32 to vector<16xf32>
      %parallel_loop3A_721 = arith.mulf %parallel_loop3A_134, %parallel_loop3A_720 : vector<16xf32>
      %parallel_loop3A_722 = arith.addf %parallel_loop3A_717, %parallel_loop3A_721 : vector<16xf32>
      %parallel_loop3A_723 = vector.extract_strided_slice %get3A_33 {offsets = [15], sizes = [1], strides = [1]} : vector<16xf32> to vector<1xf32>
      %parallel_loop3A_724 = vector.extract %parallel_loop3A_723[0] : f32 from vector<1xf32>
      %parallel_loop3A_725 = vector.broadcast %parallel_loop3A_724 : f32 to vector<16xf32>
      %parallel_loop3A_726 = arith.mulf %parallel_loop3A_139, %parallel_loop3A_725 : vector<16xf32>
      %parallel_loop3A_727 = arith.addf %parallel_loop3A_722, %parallel_loop3A_726 : vector<16xf32>
      %parallel_loop3A_728 = vector.extract_strided_slice %get3A_35 {offsets = [5], sizes = [1], strides = [1]} : vector<16xf32> to vector<1xf32>
      %parallel_loop3A_729 = vector.extract %parallel_loop3A_728[0] : f32 from vector<1xf32>
      %parallel_loop3A_730 = vector.broadcast %parallel_loop3A_729 : f32 to vector<16xf32>
      %parallel_loop3A_731 = arith.mulf %parallel_loop3A_144, %parallel_loop3A_730 : vector<16xf32>
      %parallel_loop3A_732 = arith.addf %parallel_loop3A_727, %parallel_loop3A_731 : vector<16xf32>
      %parallel_loop3A_733 = vector.extract_strided_slice %get3A_35 {offsets = [11], sizes = [1], strides = [1]} : vector<16xf32> to vector<1xf32>
      %parallel_loop3A_734 = vector.extract %parallel_loop3A_733[0] : f32 from vector<1xf32>
      %parallel_loop3A_735 = vector.broadcast %parallel_loop3A_734 : f32 to vector<16xf32>
      %parallel_loop3A_736 = arith.mulf %parallel_loop3A_149, %parallel_loop3A_735 : vector<16xf32>
      %parallel_loop3A_737 = arith.addf %parallel_loop3A_732, %parallel_loop3A_736 : vector<16xf32>
      %parallel_loop3A_738 = arith.mulf %parallel_loop3A_356, %parallel_loop3A_737 : vector<16xf32>
      %parallel_loop3A_739 = arith.addf %parallel_loop3A_708, %parallel_loop3A_738 : vector<16xf32>
      %parallel_loop3A_740 = arith.constant 3 : i32
      %parallel_loop3A_741 = arith.index_cast %parallel_loop3A_740 : i32 to index
      %parallel_loop3A_742 = arith.index_cast %parallel_loop3A_101 : i32 to index
      %parallel_loop3A_743 = arith.index_cast %parallel_loop3A_119 : i32 to index
      %parallel_loop3A_744 = tpu.vector_load %arg7[%parallel_loop3A_741, %parallel_loop3A_742, %parallel_loop3A_743] {strides = array<i32>} : memref<6x8x128xf32, #tpu.memory_space<vmem>>, vector<16xf32>,
      tpu.vector_store %arg7[%parallel_loop3A_741, %parallel_loop3A_742, %parallel_loop3A_743], %parallel_loop3A_739 {strides = array<i32>} : memref<6x8x128xf32, #tpu.memory_space<vmem>>, vector<16xf32>,
      %parallel_loop3A_745 = vector.extract_strided_slice %get3A_23 {offsets = [6], sizes = [1], strides = [1]} : vector<16xf32> to vector<1xf32>
      %parallel_loop3A_746 = vector.extract %parallel_loop3A_745[0] : f32 from vector<1xf32>
      %parallel_loop3A_747 = vector.broadcast %parallel_loop3A_746 : f32 to vector<16xf32>
      %parallel_loop3A_748 = arith.mulf %parallel_loop3A_124, %parallel_loop3A_747 : vector<16xf32>
      %parallel_loop3A_749 = vector.extract_strided_slice %get3A_23 {offsets = [12], sizes = [1], strides = [1]} : vector<16xf32> to vector<1xf32>
      %parallel_loop3A_750 = vector.extract %parallel_loop3A_749[0] : f32 from vector<1xf32>
      %parallel_loop3A_751 = vector.broadcast %parallel_loop3A_750 : f32 to vector<16xf32>
      %parallel_loop3A_752 = arith.mulf %parallel_loop3A_129, %parallel_loop3A_751 : vector<16xf32>
      %parallel_loop3A_753 = arith.addf %parallel_loop3A_748, %parallel_loop3A_752 : vector<16xf32>
      %parallel_loop3A_754 = vector.extract_strided_slice %get3A_25 {offsets = [2], sizes = [1], strides = [1]} : vector<16xf32> to vector<1xf32>
      %parallel_loop3A_755 = vector.extract %parallel_loop3A_754[0] : f32 from vector<1xf32>
      %parallel_loop3A_756 = vector.broadcast %parallel_loop3A_755 : f32 to vector<16xf32>
      %parallel_loop3A_757 = arith.mulf %parallel_loop3A_134, %parallel_loop3A_756 : vector<16xf32>
      %parallel_loop3A_758 = arith.addf %parallel_loop3A_753, %parallel_loop3A_757 : vector<16xf32>
      %parallel_loop3A_759 = vector.extract_strided_slice %get3A_25 {offsets = [8], sizes = [1], strides = [1]} : vector<16xf32> to vector<1xf32>
      %parallel_loop3A_760 = vector.extract %parallel_loop3A_759[0] : f32 from vector<1xf32>
      %parallel_loop3A_761 = vector.broadcast %parallel_loop3A_760 : f32 to vector<16xf32>
      %parallel_loop3A_762 = arith.mulf %parallel_loop3A_139, %parallel_loop3A_761 : vector<16xf32>
      %parallel_loop3A_763 = arith.addf %parallel_loop3A_758, %parallel_loop3A_762 : vector<16xf32>
      %parallel_loop3A_764 = vector.extract_strided_slice %get3A_25 {offsets = [14], sizes = [1], strides = [1]} : vector<16xf32> to vector<1xf32>
      %parallel_loop3A_765 = vector.extract %parallel_loop3A_764[0] : f32 from vector<1xf32>
      %parallel_loop3A_766 = vector.broadcast %parallel_loop3A_765 : f32 to vector<16xf32>
      %parallel_loop3A_767 = arith.mulf %parallel_loop3A_144, %parallel_loop3A_766 : vector<16xf32>
      %parallel_loop3A_768 = arith.addf %parallel_loop3A_763, %parallel_loop3A_767 : vector<16xf32>
      %parallel_loop3A_769 = vector.extract_strided_slice %get3A_27 {offsets = [4], sizes = [1], strides = [1]} : vector<16xf32> to vector<1xf32>
      %parallel_loop3A_770 = vector.extract %parallel_loop3A_769[0] : f32 from vector<1xf32>
      %parallel_loop3A_771 = vector.broadcast %parallel_loop3A_770 : f32 to vector<16xf32>
      %parallel_loop3A_772 = arith.mulf %parallel_loop3A_149, %parallel_loop3A_771 : vector<16xf32>
      %parallel_loop3A_773 = arith.addf %parallel_loop3A_768, %parallel_loop3A_772 : vector<16xf32>
      %parallel_loop3A_774 = arith.mulf %parallel_loop3A_354, %parallel_loop3A_773 : vector<16xf32>
      %parallel_loop3A_775 = vector.extract_strided_slice %get3A_27 {offsets = [10], sizes = [1], strides = [1]} : vector<16xf32> to vector<1xf32>
      %parallel_loop3A_776 = vector.extract %parallel_loop3A_775[0] : f32 from vector<1xf32>
      %parallel_loop3A_777 = vector.broadcast %parallel_loop3A_776 : f32 to vector<16xf32>
      %parallel_loop3A_778 = arith.mulf %parallel_loop3A_124, %parallel_loop3A_777 : vector<16xf32>
      %parallel_loop3A_779 = vector.extract_strided_slice %get3A_29 {offsets = [0], sizes = [1], strides = [1]} : vector<16xf32> to vector<1xf32>
      %parallel_loop3A_780 = vector.extract %parallel_loop3A_779[0] : f32 from vector<1xf32>
      %parallel_loop3A_781 = vector.broadcast %parallel_loop3A_780 : f32 to vector<16xf32>
      %parallel_loop3A_782 = arith.mulf %parallel_loop3A_129, %parallel_loop3A_781 : vector<16xf32>
      %parallel_loop3A_783 = arith.addf %parallel_loop3A_778, %parallel_loop3A_782 : vector<16xf32>
      %parallel_loop3A_784 = vector.extract_strided_slice %get3A_29 {offsets = [6], sizes = [1], strides = [1]} : vector<16xf32> to vector<1xf32>
      %parallel_loop3A_785 = vector.extract %parallel_loop3A_784[0] : f32 from vector<1xf32>
      %parallel_loop3A_786 = vector.broadcast %parallel_loop3A_785 : f32 to vector<16xf32>
      %parallel_loop3A_787 = arith.mulf %parallel_loop3A_134, %parallel_loop3A_786 : vector<16xf32>
      %parallel_loop3A_788 = arith.addf %parallel_loop3A_783, %parallel_loop3A_787 : vector<16xf32>
      %parallel_loop3A_789 = vector.extract_strided_slice %get3A_29 {offsets = [12], sizes = [1], strides = [1]} : vector<16xf32> to vector<1xf32>
      %parallel_loop3A_790 = vector.extract %parallel_loop3A_789[0] : f32 from vector<1xf32>
      %parallel_loop3A_791 = vector.broadcast %parallel_loop3A_790 : f32 to vector<16xf32>
      %parallel_loop3A_792 = arith.mulf %parallel_loop3A_139, %parallel_loop3A_791 : vector<16xf32>
      %parallel_loop3A_793 = arith.addf %parallel_loop3A_788, %parallel_loop3A_792 : vector<16xf32>
      %parallel_loop3A_794 = vector.extract_strided_slice %get3A_31 {offsets = [2], sizes = [1], strides = [1]} : vector<16xf32> to vector<1xf32>
      %parallel_loop3A_795 = vector.extract %parallel_loop3A_794[0] : f32 from vector<1xf32>
      %parallel_loop3A_796 = vector.broadcast %parallel_loop3A_795 : f32 to vector<16xf32>
      %parallel_loop3A_797 = arith.mulf %parallel_loop3A_144, %parallel_loop3A_796 : vector<16xf32>
      %parallel_loop3A_798 = arith.addf %parallel_loop3A_793, %parallel_loop3A_797 : vector<16xf32>
      %parallel_loop3A_799 = vector.extract_strided_slice %get3A_31 {offsets = [8], sizes = [1], strides = [1]} : vector<16xf32> to vector<1xf32>
      %parallel_loop3A_800 = vector.extract %parallel_loop3A_799[0] : f32 from vector<1xf32>
      %parallel_loop3A_801 = vector.broadcast %parallel_loop3A_800 : f32 to vector<16xf32>
      %parallel_loop3A_802 = arith.mulf %parallel_loop3A_149, %parallel_loop3A_801 : vector<16xf32>
      %parallel_loop3A_803 = arith.addf %parallel_loop3A_798, %parallel_loop3A_802 : vector<16xf32>
      %parallel_loop3A_804 = arith.mulf %parallel_loop3A_355, %parallel_loop3A_803 : vector<16xf32>
      %parallel_loop3A_805 = arith.addf %parallel_loop3A_774, %parallel_loop3A_804 : vector<16xf32>
      %parallel_loop3A_806 = vector.extract_strided_slice %get3A_31 {offsets = [14], sizes = [1], strides = [1]} : vector<16xf32> to vector<1xf32>
      %parallel_loop3A_807 = vector.extract %parallel_loop3A_806[0] : f32 from vector<1xf32>
      %parallel_loop3A_808 = vector.broadcast %parallel_loop3A_807 : f32 to vector<16xf32>
      %parallel_loop3A_809 = arith.mulf %parallel_loop3A_124, %parallel_loop3A_808 : vector<16xf32>
      %parallel_loop3A_810 = vector.extract_strided_slice %get3A_33 {offsets = [4], sizes = [1], strides = [1]} : vector<16xf32> to vector<1xf32>
      %parallel_loop3A_811 = vector.extract %parallel_loop3A_810[0] : f32 from vector<1xf32>
      %parallel_loop3A_812 = vector.broadcast %parallel_loop3A_811 : f32 to vector<16xf32>
      %parallel_loop3A_813 = arith.mulf %parallel_loop3A_129, %parallel_loop3A_812 : vector<16xf32>
      %parallel_loop3A_814 = arith.addf %parallel_loop3A_809, %parallel_loop3A_813 : vector<16xf32>
      %parallel_loop3A_815 = vector.extract_strided_slice %get3A_33 {offsets = [10], sizes = [1], strides = [1]} : vector<16xf32> to vector<1xf32>
      %parallel_loop3A_816 = vector.extract %parallel_loop3A_815[0] : f32 from vector<1xf32>
      %parallel_loop3A_817 = vector.broadcast %parallel_loop3A_816 : f32 to vector<16xf32>
      %parallel_loop3A_818 = arith.mulf %parallel_loop3A_134, %parallel_loop3A_817 : vector<16xf32>
      %parallel_loop3A_819 = arith.addf %parallel_loop3A_814, %parallel_loop3A_818 : vector<16xf32>
      %parallel_loop3A_820 = vector.extract_strided_slice %get3A_35 {offsets = [0], sizes = [1], strides = [1]} : vector<16xf32> to vector<1xf32>
      %parallel_loop3A_821 = vector.extract %parallel_loop3A_820[0] : f32 from vector<1xf32>
      %parallel_loop3A_822 = vector.broadcast %parallel_loop3A_821 : f32 to vector<16xf32>
      %parallel_loop3A_823 = arith.mulf %parallel_loop3A_139, %parallel_loop3A_822 : vector<16xf32>
      %parallel_loop3A_824 = arith.addf %parallel_loop3A_819, %parallel_loop3A_823 : vector<16xf32>
      %parallel_loop3A_825 = vector.extract_strided_slice %get3A_35 {offsets = [6], sizes = [1], strides = [1]} : vector<16xf32> to vector<1xf32>
      %parallel_loop3A_826 = vector.extract %parallel_loop3A_825[0] : f32 from vector<1xf32>
      %parallel_loop3A_827 = vector.broadcast %parallel_loop3A_826 : f32 to vector<16xf32>
      %parallel_loop3A_828 = arith.mulf %parallel_loop3A_144, %parallel_loop3A_827 : vector<16xf32>
      %parallel_loop3A_829 = arith.addf %parallel_loop3A_824, %parallel_loop3A_828 : vector<16xf32>
      %parallel_loop3A_830 = vector.extract_strided_slice %get3A_35 {offsets = [12], sizes = [1], strides = [1]} : vector<16xf32> to vector<1xf32>
      %parallel_loop3A_831 = vector.extract %parallel_loop3A_830[0] : f32 from vector<1xf32>
      %parallel_loop3A_832 = vector.broadcast %parallel_loop3A_831 : f32 to vector<16xf32>
      %parallel_loop3A_833 = arith.mulf %parallel_loop3A_149, %parallel_loop3A_832 : vector<16xf32>
      %parallel_loop3A_834 = arith.addf %parallel_loop3A_829, %parallel_loop3A_833 : vector<16xf32>
      %parallel_loop3A_835 = arith.mulf %parallel_loop3A_356, %parallel_loop3A_834 : vector<16xf32>
      %parallel_loop3A_836 = arith.addf %parallel_loop3A_805, %parallel_loop3A_835 : vector<16xf32>
      %parallel_loop3A_837 = arith.constant 4 : i32
      %parallel_loop3A_838 = arith.index_cast %parallel_loop3A_837 : i32 to index
      %parallel_loop3A_839 = arith.index_cast %parallel_loop3A_101 : i32 to index
      %parallel_loop3A_840 = arith.index_cast %parallel_loop3A_119 : i32 to index
      %parallel_loop3A_841 = tpu.vector_load %arg7[%parallel_loop3A_838, %parallel_loop3A_839, %parallel_loop3A_840] {strides = array<i32>} : memref<6x8x128xf32, #tpu.memory_space<vmem>>, vector<16xf32>,
      tpu.vector_store %arg7[%parallel_loop3A_838, %parallel_loop3A_839, %parallel_loop3A_840], %parallel_loop3A_836 {strides = array<i32>} : memref<6x8x128xf32, #tpu.memory_space<vmem>>, vector<16xf32>,
      %parallel_loop3A_842 = vector.extract_strided_slice %get3A_23 {offsets = [7], sizes = [1], strides = [1]} : vector<16xf32> to vector<1xf32>
      %parallel_loop3A_843 = vector.extract %parallel_loop3A_842[0] : f32 from vector<1xf32>
      %parallel_loop3A_844 = vector.broadcast %parallel_loop3A_843 : f32 to vector<16xf32>
      %parallel_loop3A_845 = arith.mulf %parallel_loop3A_124, %parallel_loop3A_844 : vector<16xf32>
      %parallel_loop3A_846 = vector.extract_strided_slice %get3A_23 {offsets = [13], sizes = [1], strides = [1]} : vector<16xf32> to vector<1xf32>
      %parallel_loop3A_847 = vector.extract %parallel_loop3A_846[0] : f32 from vector<1xf32>
      %parallel_loop3A_848 = vector.broadcast %parallel_loop3A_847 : f32 to vector<16xf32>
      %parallel_loop3A_849 = arith.mulf %parallel_loop3A_129, %parallel_loop3A_848 : vector<16xf32>
      %parallel_loop3A_850 = arith.addf %parallel_loop3A_845, %parallel_loop3A_849 : vector<16xf32>
      %parallel_loop3A_851 = vector.extract_strided_slice %get3A_25 {offsets = [3], sizes = [1], strides = [1]} : vector<16xf32> to vector<1xf32>
      %parallel_loop3A_852 = vector.extract %parallel_loop3A_851[0] : f32 from vector<1xf32>
      %parallel_loop3A_853 = vector.broadcast %parallel_loop3A_852 : f32 to vector<16xf32>
      %parallel_loop3A_854 = arith.mulf %parallel_loop3A_134, %parallel_loop3A_853 : vector<16xf32>
      %parallel_loop3A_855 = arith.addf %parallel_loop3A_850, %parallel_loop3A_854 : vector<16xf32>
      %parallel_loop3A_856 = vector.extract_strided_slice %get3A_25 {offsets = [9], sizes = [1], strides = [1]} : vector<16xf32> to vector<1xf32>
      %parallel_loop3A_857 = vector.extract %parallel_loop3A_856[0] : f32 from vector<1xf32>
      %parallel_loop3A_858 = vector.broadcast %parallel_loop3A_857 : f32 to vector<16xf32>
      %parallel_loop3A_859 = arith.mulf %parallel_loop3A_139, %parallel_loop3A_858 : vector<16xf32>
      %parallel_loop3A_860 = arith.addf %parallel_loop3A_855, %parallel_loop3A_859 : vector<16xf32>
      %parallel_loop3A_861 = vector.extract_strided_slice %get3A_25 {offsets = [15], sizes = [1], strides = [1]} : vector<16xf32> to vector<1xf32>
      %parallel_loop3A_862 = vector.extract %parallel_loop3A_861[0] : f32 from vector<1xf32>
      %parallel_loop3A_863 = vector.broadcast %parallel_loop3A_862 : f32 to vector<16xf32>
      %parallel_loop3A_864 = arith.mulf %parallel_loop3A_144, %parallel_loop3A_863 : vector<16xf32>
      %parallel_loop3A_865 = arith.addf %parallel_loop3A_860, %parallel_loop3A_864 : vector<16xf32>
      %parallel_loop3A_866 = vector.extract_strided_slice %get3A_27 {offsets = [5], sizes = [1], strides = [1]} : vector<16xf32> to vector<1xf32>
      %parallel_loop3A_867 = vector.extract %parallel_loop3A_866[0] : f32 from vector<1xf32>
      %parallel_loop3A_868 = vector.broadcast %parallel_loop3A_867 : f32 to vector<16xf32>
      %parallel_loop3A_869 = arith.mulf %parallel_loop3A_149, %parallel_loop3A_868 : vector<16xf32>
      %parallel_loop3A_870 = arith.addf %parallel_loop3A_865, %parallel_loop3A_869 : vector<16xf32>
      %parallel_loop3A_871 = arith.mulf %parallel_loop3A_354, %parallel_loop3A_870 : vector<16xf32>
      %parallel_loop3A_872 = vector.extract_strided_slice %get3A_27 {offsets = [11], sizes = [1], strides = [1]} : vector<16xf32> to vector<1xf32>
      %parallel_loop3A_873 = vector.extract %parallel_loop3A_872[0] : f32 from vector<1xf32>
      %parallel_loop3A_874 = vector.broadcast %parallel_loop3A_873 : f32 to vector<16xf32>
      %parallel_loop3A_875 = arith.mulf %parallel_loop3A_124, %parallel_loop3A_874 : vector<16xf32>
      %parallel_loop3A_876 = vector.extract_strided_slice %get3A_29 {offsets = [1], sizes = [1], strides = [1]} : vector<16xf32> to vector<1xf32>
      %parallel_loop3A_877 = vector.extract %parallel_loop3A_876[0] : f32 from vector<1xf32>
      %parallel_loop3A_878 = vector.broadcast %parallel_loop3A_877 : f32 to vector<16xf32>
      %parallel_loop3A_879 = arith.mulf %parallel_loop3A_129, %parallel_loop3A_878 : vector<16xf32>
      %parallel_loop3A_880 = arith.addf %parallel_loop3A_875, %parallel_loop3A_879 : vector<16xf32>
      %parallel_loop3A_881 = vector.extract_strided_slice %get3A_29 {offsets = [7], sizes = [1], strides = [1]} : vector<16xf32> to vector<1xf32>
      %parallel_loop3A_882 = vector.extract %parallel_loop3A_881[0] : f32 from vector<1xf32>
      %parallel_loop3A_883 = vector.broadcast %parallel_loop3A_882 : f32 to vector<16xf32>
      %parallel_loop3A_884 = arith.mulf %parallel_loop3A_134, %parallel_loop3A_883 : vector<16xf32>
      %parallel_loop3A_885 = arith.addf %parallel_loop3A_880, %parallel_loop3A_884 : vector<16xf32>
      %parallel_loop3A_886 = vector.extract_strided_slice %get3A_29 {offsets = [13], sizes = [1], strides = [1]} : vector<16xf32> to vector<1xf32>
      %parallel_loop3A_887 = vector.extract %parallel_loop3A_886[0] : f32 from vector<1xf32>
      %parallel_loop3A_888 = vector.broadcast %parallel_loop3A_887 : f32 to vector<16xf32>
      %parallel_loop3A_889 = arith.mulf %parallel_loop3A_139, %parallel_loop3A_888 : vector<16xf32>
      %parallel_loop3A_890 = arith.addf %parallel_loop3A_885, %parallel_loop3A_889 : vector<16xf32>
      %parallel_loop3A_891 = vector.extract_strided_slice %get3A_31 {offsets = [3], sizes = [1], strides = [1]} : vector<16xf32> to vector<1xf32>
      %parallel_loop3A_892 = vector.extract %parallel_loop3A_891[0] : f32 from vector<1xf32>
      %parallel_loop3A_893 = vector.broadcast %parallel_loop3A_892 : f32 to vector<16xf32>
      %parallel_loop3A_894 = arith.mulf %parallel_loop3A_144, %parallel_loop3A_893 : vector<16xf32>
      %parallel_loop3A_895 = arith.addf %parallel_loop3A_890, %parallel_loop3A_894 : vector<16xf32>
      %parallel_loop3A_896 = vector.extract_strided_slice %get3A_31 {offsets = [9], sizes = [1], strides = [1]} : vector<16xf32> to vector<1xf32>
      %parallel_loop3A_897 = vector.extract %parallel_loop3A_896[0] : f32 from vector<1xf32>
      %parallel_loop3A_898 = vector.broadcast %parallel_loop3A_897 : f32 to vector<16xf32>
      %parallel_loop3A_899 = arith.mulf %parallel_loop3A_149, %parallel_loop3A_898 : vector<16xf32>
      %parallel_loop3A_900 = arith.addf %parallel_loop3A_895, %parallel_loop3A_899 : vector<16xf32>
      %parallel_loop3A_901 = arith.mulf %parallel_loop3A_355, %parallel_loop3A_900 : vector<16xf32>
      %parallel_loop3A_902 = arith.addf %parallel_loop3A_871, %parallel_loop3A_901 : vector<16xf32>
      %parallel_loop3A_903 = vector.extract_strided_slice %get3A_31 {offsets = [15], sizes = [1], strides = [1]} : vector<16xf32> to vector<1xf32>
      %parallel_loop3A_904 = vector.extract %parallel_loop3A_903[0] : f32 from vector<1xf32>
      %parallel_loop3A_905 = vector.broadcast %parallel_loop3A_904 : f32 to vector<16xf32>
      %parallel_loop3A_906 = arith.mulf %parallel_loop3A_124, %parallel_loop3A_905 : vector<16xf32>
      %parallel_loop3A_907 = vector.extract_strided_slice %get3A_33 {offsets = [5], sizes = [1], strides = [1]} : vector<16xf32> to vector<1xf32>
      %parallel_loop3A_908 = vector.extract %parallel_loop3A_907[0] : f32 from vector<1xf32>
      %parallel_loop3A_909 = vector.broadcast %parallel_loop3A_908 : f32 to vector<16xf32>
      %parallel_loop3A_910 = arith.mulf %parallel_loop3A_129, %parallel_loop3A_909 : vector<16xf32>
      %parallel_loop3A_911 = arith.addf %parallel_loop3A_906, %parallel_loop3A_910 : vector<16xf32>
      %parallel_loop3A_912 = vector.extract_strided_slice %get3A_33 {offsets = [11], sizes = [1], strides = [1]} : vector<16xf32> to vector<1xf32>
      %parallel_loop3A_913 = vector.extract %parallel_loop3A_912[0] : f32 from vector<1xf32>
      %parallel_loop3A_914 = vector.broadcast %parallel_loop3A_913 : f32 to vector<16xf32>
      %parallel_loop3A_915 = arith.mulf %parallel_loop3A_134, %parallel_loop3A_914 : vector<16xf32>
      %parallel_loop3A_916 = arith.addf %parallel_loop3A_911, %parallel_loop3A_915 : vector<16xf32>
      %parallel_loop3A_917 = vector.extract_strided_slice %get3A_35 {offsets = [1], sizes = [1], strides = [1]} : vector<16xf32> to vector<1xf32>
      %parallel_loop3A_918 = vector.extract %parallel_loop3A_917[0] : f32 from vector<1xf32>
      %parallel_loop3A_919 = vector.broadcast %parallel_loop3A_918 : f32 to vector<16xf32>
      %parallel_loop3A_920 = arith.mulf %parallel_loop3A_139, %parallel_loop3A_919 : vector<16xf32>
      %parallel_loop3A_921 = arith.addf %parallel_loop3A_916, %parallel_loop3A_920 : vector<16xf32>
      %parallel_loop3A_922 = vector.extract_strided_slice %get3A_35 {offsets = [7], sizes = [1], strides = [1]} : vector<16xf32> to vector<1xf32>
      %parallel_loop3A_923 = vector.extract %parallel_loop3A_922[0] : f32 from vector<1xf32>
      %parallel_loop3A_924 = vector.broadcast %parallel_loop3A_923 : f32 to vector<16xf32>
      %parallel_loop3A_925 = arith.mulf %parallel_loop3A_144, %parallel_loop3A_924 : vector<16xf32>
      %parallel_loop3A_926 = arith.addf %parallel_loop3A_921, %parallel_loop3A_925 : vector<16xf32>
      %parallel_loop3A_927 = vector.extract_strided_slice %get3A_35 {offsets = [13], sizes = [1], strides = [1]} : vector<16xf32> to vector<1xf32>
      %parallel_loop3A_928 = vector.extract %parallel_loop3A_927[0] : f32 from vector<1xf32>
      %parallel_loop3A_929 = vector.broadcast %parallel_loop3A_928 : f32 to vector<16xf32>
      %parallel_loop3A_930 = arith.mulf %parallel_loop3A_149, %parallel_loop3A_929 : vector<16xf32>
      %parallel_loop3A_931 = arith.addf %parallel_loop3A_926, %parallel_loop3A_930 : vector<16xf32>
      %parallel_loop3A_932 = arith.mulf %parallel_loop3A_356, %parallel_loop3A_931 : vector<16xf32>
      %parallel_loop3A_933 = arith.addf %parallel_loop3A_902, %parallel_loop3A_932 : vector<16xf32>
      %parallel_loop3A_934 = arith.constant 5 : i32
      %parallel_loop3A_935 = arith.index_cast %parallel_loop3A_934 : i32 to index
      %parallel_loop3A_936 = arith.index_cast %parallel_loop3A_101 : i32 to index
      %parallel_loop3A_937 = arith.index_cast %parallel_loop3A_119 : i32 to index
      %parallel_loop3A_938 = tpu.vector_load %arg7[%parallel_loop3A_935, %parallel_loop3A_936, %parallel_loop3A_937] {strides = array<i32>} : memref<6x8x128xf32, #tpu.memory_space<vmem>>, vector<16xf32>,
      tpu.vector_store %arg7[%parallel_loop3A_935, %parallel_loop3A_936, %parallel_loop3A_937], %parallel_loop3A_933 {strides = array<i32>} : memref<6x8x128xf32, #tpu.memory_space<vmem>>, vector<16xf32>,
    } {sc.loop_unroll_factor = 4 : i64, sc.parallel_access}
    %dma_start3A_65 = arith.constant 0 : i32
    %dma_start3A_66 = arith.constant 0 : i32
    %dma_start3A_67 = tpu.memref_slice %arg4[%dma_start3A_65, %mul3A_2, %dma_start3A_66] : memref<6x256x128xf32, #tpu.memory_space<hbm>> -> memref<6x8x128xf32, #tpu.memory_space<hbm>>
    %dma_start3A_68 = arith.constant 0 : i32
    %dma_start3A_69 = arith.constant 0 : i32
    %dma_start3A_70 = tpu.memref_slice %arg4[%dma_start3A_68, %mul3A_2, %dma_start3A_69] : memref<6x256x128xf32, #tpu.memory_space<hbm>> -> memref<6x8x128xf32, #tpu.memory_space<hbm>>
    tpu.enqueue_dma source(%arg7 : memref<6x8x128xf32, #tpu.memory_space<vmem>>) target(%dma_start3A_70 : memref<6x8x128xf32, #tpu.memory_space<hbm>>) target_semaphore(%arg8 : memref<!tpu.dma_semaphore, #tpu.memory_space<semaphore_mem>>)
    %dma_wait3A_71 = arith.constant 0 : i32
    %dma_wait3A_72 = arith.constant 0 : i32
    %dma_wait3A_73 = tpu.memref_slice %arg4[%dma_wait3A_71, %mul3A_2, %dma_wait3A_72] : memref<6x256x128xf32, #tpu.memory_space<hbm>> -> memref<6x8x128xf32, #tpu.memory_space<hbm>>
    %dma_wait3A_74 = arith.constant 0 : i32
    %dma_wait3A_75 = arith.constant 0 : i32
    %dma_wait3A_76 = tpu.memref_slice %arg4[%dma_wait3A_74, %mul3A_2, %dma_wait3A_75] : memref<6x256x128xf32, #tpu.memory_space<hbm>> -> memref<6x8x128xf32, #tpu.memory_space<hbm>>
    tpu.wait_dma2 semaphore(%arg8 : memref<!tpu.dma_semaphore, #tpu.memory_space<semaphore_mem>>) src(%arg7 : memref<6x8x128xf32, #tpu.memory_space<vmem>>) dst(%dma_wait3A_76 : memref<6x8x128xf32, #tpu.memory_space<hbm>>)
    return
  }
}

</mosaic_0001>

<sc_bundles>
// kernel: tiny_moe_sc.3.cloned.1.call-start
scs
__scs_entry_jumppad:
0x0: {  	(pc) =	sbr.rel $0x88, $3  }
0x1: {  	(tag) =	ssettag $0x0;
	lr =	simm.s32 $0x1  }
0x2: {  	[smem:$0x3F9E] =	sst lr;
	_ =	strace $0xD0000000  }
0x3: {  	_ = 	snop  }
0x4: {  	_ = 	snop  }
0x5: {  	_ = 	snop  }
0x6: {  	_ = 	snop  }
0x7: {  	_ = 	snop  }
__scs_overlays_trampoline_lowered:
0x8: {  	[smem:$0x3FAD] =	sst s0  }
0x9: {  	[smem:$0x3FAE] =	sst s1  }
0xa: {  	[smem:$0x3FAF] =	sst s2  }
0xb: {  	[smem:$0x3FB0] =	sst s3  }
0xc: {  	[smem:$0x3FB1] =	sst s4  }
0xd: {  	[smem:$0x3FB2] =	sst s5  }
0xe: {  	[smem:$0x3FB3] =	sst s6  }
0xf: {  	[smem:$0x3FB4] =	sst s7  }
0x10: {  	[smem:$0x3FB5] =	sst s8  }
0x11: {  	[smem:$0x3FB6] =	sst s9;
	s0 =	simm.s32 @!p0 $0x0  }
0x12: {  	s1 =	sld [smem:$0x3F9C];
	s0 =	simm.s32 @p0 $0x1  }
0x13: {  	[smem:$0x3FB7] =	sst s0;
	s0 =	simm.s32 @!p1 $0x0  }
0x14: {  	s2 =	sld [smem:$0x3F9B];
	s0 =	simm.s32 @p1 $0x1  }
0x15: {  	[smem:$0x3FB8] =	sst s0;
	s0 =	simm.s32 @!p2 $0x0  }
0x16: {  	s3 =	sld [smem:$0x3FDB];
	s0 =	simm.s32 @p2 $0x1  }
0x17: {  	s4 =	simm.s32 $0x1BF5;
	[smem:$0x3FBA] =	sst s0  }
0x18: {  	s0 =	sld [smem:$0x3F9D];
	_ =	swait.ge [sflag:s4], $0x0  }
0x19: {  	s7 =	sld [smem:$0x3F9E]  }
0x1a: {  	s8 =	sadd.s32 $0xFFFFE003, lr  }
0x1b: {  	s9 =	sadd.s32 $0xFFFFFEF7, lr;
	s5 =	simm.s32 $0xFFFFFFFF;
	p2 =	slt.u32 s8, $0xFFFFF086  }
0x1c: {  	p1 =	slt.u32 s9, $0xF7A;
	s5 =	simm.s32 @!p2 $0x0  }
0x1d: {  	s5 =	simm.s32 @p1 $0x1;
	p0 =	seq.s32 s7, s2  }
0x1e: {  	s7 =	smul.u32 @!p0 $0xF7A, s2;
	p2 =	seq.s32 @!p0 s5, $0x0  }
0x1f: {  	s9 =	smul.u32 $0xF7A, s1;
	s8 =	simm.s32 @!p0 $0x1BF5;
	p2 =	por !p2, p0  }
0x20: {  	[sflag:s8] =	ssyncset.s32 @!p0 $0xFFFFF086;
	s6 =	sadd.s32 @!p0 s3, s7;
	s7 =	simm.s32 @!p0 $0x108  }
0x21: {  	s3 =	sadd.s32 s3, s9;
	s6 =	sadd.s32 @!p0 $0x88, s6;
	s7 =	simm.s32 @p2 $0x1082  }
0x22: {  	[simem:s7], [sflag:s8] =	dma.local @!p0 [hbm:s6], $0xF7A  }
0x23: {  	s9 =	sor.u32 $0xD0000000, s2;
	s6 =	simm.s32 $0x108;
	_ =	swait.ge @!p0 [sflag:s8], $0x0  }
0x24: {  	s3 =	sadd.s32 $0x88, s3;
	s6 =	simm.s32 @!p1 $0x1082;
	[sflag:s4] =	ssyncset.s32 $0xFFFFF086  }
0x25: {  	[simem:s6], [sflag:s4] =	dma.local [hbm:s3], $0xF7A  }
0x26: {  	[smem:$0x3F9E] =	sst s1;
	(tag) =	ssettag s2;
	_ =	strace s9  }
0x27: {  	s1 =	sld [smem:$0x3FAE]  }
0x28: {  	s2 =	sld [smem:$0x3FAF]  }
0x29: {  	s4 =	sld [smem:$0x3FB1]  }
0x2a: {  	p0 =	seq.s32 s5, $0x0;
	s5 =	sld [smem:$0x3FB2]  }
0x2b: {  	s6 =	sld [smem:$0x3FB3]  }
0x2c: {  	s7 =	sld [smem:$0x3FB4]  }
0x2d: {  	s3 =	simm.s32 $0x108;
	s8 =	sld [smem:$0x3FB5]  }
0x2e: {  	s3 =	simm.s32 @!p0 $0x1082;
	s9 =	sld [smem:$0x3FB6]  }
0x2f: {  	lr =	sadd.s32 s0, s3;
	s0 =	sld [smem:$0x3FAD]  }
0x30: {  	s3 =	sld [smem:$0x3FB0]  }
0x31: {  	[smem:$0x3FB9] =	sst s10  }
0x32: {  	s10 =	sld [smem:$0x3FB7];
	_ =	sdelay $0x3  }
0x33: {  	p0 =	seq.s32 s10, $0x1;
	s10 =	sld [smem:$0x3FB9];
	_ =	sdelay $0x3  }
0x34: {  	[smem:$0x3FB9] =	sst s10  }
0x35: {  	s10 =	sld [smem:$0x3FB8];
	_ =	sdelay $0x3  }
0x36: {  	p1 =	seq.s32 s10, $0x1;
	s10 =	sld [smem:$0x3FB9];
	_ =	sdelay $0x3  }
0x37: {  	[smem:$0x3FB9] =	sst s10  }
0x38: {  	s10 =	sld [smem:$0x3FBA]  }
0x39: {  	_ = 	snop;
	(pc) =	sbr.ind lr, $3  }
0x3a: {  	_ = 	snop  }
0x3b: {  	_ = 	snop  }
0x3c: {  	p2 =	seq.s32 s10, $0x1;
	s10 =	sld [smem:$0x3FB9]  }
0x3d: {  	_ =	shalt  }
0x3e: {  	_ =	shalt  }
0x3f: {  	_ =	shalt  }
0x40: {  	_ =	shalt  }
0x41: {  	_ =	shalt  }
0x42: {  	_ =	shalt  }
0x43: {  	_ =	shalt  }
0x44: {  	_ =	shalt  }
0x45: {  	_ =	shalt  }
0x46: {  	_ =	shalt  }
0x47: {  	_ =	shalt  }
0x48: {  	_ =	shalt  }
0x49: {  	_ =	shalt  }
0x4a: {  	_ =	shalt  }
0x4b: {  	_ =	shalt  }
0x4c: {  	_ =	shalt  }
0x4d: {  	_ =	shalt  }
0x4e: {  	_ =	shalt  }
0x4f: {  	_ =	shalt  }
0x50: {  	_ =	shalt  }
0x51: {  	_ =	shalt  }
0x52: {  	_ =	shalt  }
0x53: {  	_ =	shalt  }
0x54: {  	_ =	shalt  }
0x55: {  	_ =	shalt  }
0x56: {  	_ =	shalt  }
0x57: {  	_ =	shalt  }
0x58: {  	_ =	shalt  }
0x59: {  	_ =	shalt  }
0x5a: {  	_ =	shalt  }
0x5b: {  	_ =	shalt  }
0x5c: {  	_ =	shalt  }
0x5d: {  	_ =	shalt  }
0x5e: {  	_ =	shalt  }
0x5f: {  	_ =	shalt  }
0x60: {  	_ =	shalt  }
0x61: {  	_ =	shalt  }
0x62: {  	_ =	shalt  }
0x63: {  	_ =	shalt  }
0x64: {  	_ =	shalt  }
0x65: {  	_ =	shalt  }
0x66: {  	_ =	shalt  }
0x67: {  	_ =	shalt  }
0x68: {  	_ =	shalt  }
0x69: {  	_ =	shalt  }
0x6a: {  	_ =	shalt  }
0x6b: {  	_ =	shalt  }
0x6c: {  	_ =	shalt  }
0x6d: {  	_ =	shalt  }
0x6e: {  	_ =	shalt  }
0x6f: {  	_ =	shalt  }
0x70: {  	_ =	shalt  }
0x71: {  	_ =	shalt  }
0x72: {  	_ =	shalt  }
0x73: {  	_ =	shalt  }
0x74: {  	_ =	shalt  }
0x75: {  	_ =	shalt  }
0x76: {  	_ =	shalt  }
0x77: {  	_ =	shalt  }
0x78: {  	_ =	shalt  }
0x79: {  	_ =	shalt  }
0x7a: {  	_ =	shalt  }
0x7b: {  	_ =	shalt  }
0x7c: {  	_ =	shalt  }
0x7d: {  	_ =	shalt  }
0x7e: {  	_ =	shalt  }
0x7f: {  	_ =	shalt  }
0x80: {  	_ =	shalt  }
0x81: {  	_ =	shalt  }
0x82: {  	_ =	shalt  }
0x83: {  	_ =	shalt  }
0x84: {  	_ =	shalt  }
0x85: {  	_ =	shalt  }
0x86: {  	_ =	shalt  }
0x87: {  	_ =	shalt  }
.Lfunc_end0:
.L_simem_size_0:
called_computation_lowered:
.L_overlay_start_0:
0x88: {  	s2 =	sld [smem:$0x3FD9]  }
0x89: {  	s3 =	sld [smem:$0x3FFE];
	_ =	sdelay $0x1  }
0x8a: {  	s1 =	srdreg.scid  }
0x8b: {  	s0 =	sand.u32 $0x1, s1  }
0x8c: {  	s17 =	sshll.u32 s0, $0xA;
	s2 =	sadd.s32 s3, s2  }
0x8d: {  	s2 =	sadd.s32 s2, s17  }
0x8e: {  	[smem:$0x3FC5] =	sst s2  }
0x8f: {  	_ = 	snop  }
0x90: {  	s2 =	sld [smem:$0x3FC9]  }
0x91: {  	s18 =	sld [smem:$0x3FD0];
	(tm) =	ssettm $0x1  }
0x92: {  	s4 =	sld [smem:$0x3FFB];
	_ =	sdelay $0x3  }
0x93: {  	_ =	strace s4  }
0x94: {  	s4 =	sld [smem:$0x3FFC];
	_ =	sdelay $0x3  }
0x95: {  	_ =	strace s4  }
0x96: {  	s4 =	sld [smem:$0x3FFD];
	_ =	sdelay $0x3  }
0x97: {  	_ =	strace s4  }
0x98: {  	_ =	strace $0x8FFFFFFF  }
0x99: {  	s19 =	sld [smem:$0x3FDB];
	_ =	sdelay $0x1  }
0x9a: {  	s5 =	simm.s32 $_scs_section_size  }
0x9b: {  	s6 =	simm.s32 $_size__tile_overlayer_lowered;
	s7 =	simm.s32 $_tile_overlayer_lowered  }
0x9c: {  	s22 =	simm.s32 $0x1BFF;
	s21 =	sshll.u32 s7, $0x1;
	s4 =	sadd.s32 s5, s19  }
0x9d: {  	s8 =	simm.s32 $0x0;
	s20 =	sshll.u32 s6, $0x1;
	s6 =	sadd.s32 s21, s4  }
0x9e: {  	[timem:s8], [sflag:s22] =	dma.local [hbm:s6], s20  }
0x9f: {  	_ =	swait.ge [sflag:s22], s20  }
0xa0: {  	s5 =	ssub.s32 $0x0, s20;
	[sflag:s22] =	ssyncset.done $0x0  }
0xa1: {  	[sflag:s22] =	ssyncadd.s32 s5;
	_ =	sdelay $0x1  }
0xa2: {  	s23 =	simm.s32 $0x1B8B  }
0xa3: {  	_ =	swait.ge [sflag:s23], $0x1  }
0xa4: {  	[sflag:s23] =	ssyncset.done $0x0  }
0xa5: {  	s25 =	simm.s32 $0x1B8E;
	s24 =	sld [smem:$0x3FFE];
	[sflag:s23] =	ssyncadd.s32 $0xFFFFFFFF  }
0xa6: {  	s26 =	simm.s32 $execute0_lowered;
	[smem:$0x3FD2] =	sst s25  }
0xa7: {  	s6 =	sshll.u32 s26, $0x1;
	_ =	strace $0x80000046;
	[dreg:$0x1] =	wrdreg $0xFFFFFFFF  }
0xa8: {  	s28 =	simm.s32 $_size_execute0_lowered;
	s4 =	sadd.s32 s4, s6;
	[dreg:$0x0] =	wrdreg $0x0  }
0xa9: {  	s6 =	sshll.u32 s28, $0x1;
	[dreg:$0x2] =	wrdreg s4  }
0xaa: {  	[dreg:$0x3] =	wrdreg s6  }
0xab: {  	[dreg:$0x4] =	wrdreg $0xC0  }
0xac: {  	_ =	task [dreg:s8], $0x5FFFF  }
0xad: {  	[dreg:$0x1] =	wrdreg $0xFFFFFFFF  }
0xae: {  	[dreg:$0x0] =	wrdreg $0x60  }
0xaf: {  	[dreg:$0x2] =	wrdreg s2  }
0xb0: {  	[dreg:$0x3] =	wrdreg s24  }
0xb1: {  	[dreg:$0x4] =	wrdreg s18  }
0xb2: {  	[dreg:$0x5] =	wrdreg $0x9  }
0xb3: {  	_ =	task.clear_ibuf [dreg:s8], $0x6FFFF;
	_ =	strace $0x90000046  }
0xb4: {  	s29 =	simm.s32 $0x9;
	_ =	strace $0x80000048  }
0xb5: {  	_ =	swait.ge [sflag:s29], $0x1  }
0xb6: {  	[sflag:s29] =	ssyncadd.s32 $0xFFFFFFFF  }
0xb7: {  	_ =	strace $0x90000048  }
0xb8: {  	_ =	sfence  }
0xb9: {  	s30 =	sld [smem:$0x0];
	_ =	sdelay $0x2  }
0xba: {  	s31 =	sshll.u32 s1, $0xD;
	s1 =	sshrl.u32 s1, $0x2  }
0xbb: {  	s3 =	sand.u32 $0x4000, s31;
	s1 =	sadd.s32 s1, s30  }
0xbc: {  	s0 =	sor.u32 s3, s0;
	s1 =	sshll.u32 s1, $0x11  }
0xbd: {  	s0 =	sor.u32 s1, s0  }
0xbe: {  	s0 =	sadd.s32 $0x8F2B, s0  }
0xbf: {  	[sflag:s0] =	ssyncadd.remote.s32 $0x1  }
0xc0: {  	_ =	sfence.sel $0xFFFF  }
0xc1: {  	[dreg:$0x0] =	wrdreg $0xFFFFFFFF;
	(pc) =	sbr.abs _section_cstart, $3  }
0xc2: {  	[dreg:$0x1] =	wrdreg $0xFFFFFFFF  }
0xc3: {  	_ =	task.clear_ibuf [dreg:s8], $0x2FFFF;
	_ =	strace $0x9FFFFFFF  }
0xc4: {  	(tm) =	ssettm $0x7FFFFFFF  }
0xc5: {  	_ =	shalt  }
tec
execute0_lowered:
.L_overlay_start_1:
0x0: {  	(tag) =	ssettag $0x1  }
0x1: {  	s4 =	rddreg [dreg:$0x0]  }
0x2: {  	s3 =	rddreg [dreg:$0x1]  }
0x3: {  	s5 =	rddreg [dreg:$0x2]  }
0x4: {  	s0 =	rddreg [dreg:$0x3];
	s1 =	simm.s32 $0x0  }
0x5: {  	s2 =	srdreg.scid;
	s10 =	simm.s32 $0x1;
	s11 =	simm.s32 $0x1900  }
0x6: {  	s12 =	simm.s32 $0x0;
	[smem:$0x7FF] =	sst s1;
	s6 =	sand.u32 $0x1, s2  }
0x7: {  	s2 =	stileid.u32;
	s3 =	sadd.s32 $0x600, s3;
	_ =	strace $0x80000047  }
0x8: {  	s7 =	ssub.s32 $0x2, s6;
	s9 =	sshll.u32 s2, $0x8;
	s6 =	sshll.u32 s6, $0x7  }
0x9: {  	s8 =	sshrl.u32 s7, $0x1;
	s6 =	sor.u32 s6, s9;
	s9 =	simm.s32 $0x1800  }
0xa: {  	s7 =	ssub.s32 s7, s8;
	s4 =	sadd.s32 s4, s6;
	s5 =	sadd.s32 s5, s6  }
0xb: {  	s8 =	simm.s32 $0x8000;
	s6 =	smax.u32 s7, $0x1;
	s7 =	simm.s32 $0x400  }
.LBB2_1:
0xc: {  	[tilespmem:s1], [sflag:$0x1] =	stream.strided.gather [hbm4b:s4+s7], $0x1800, s8, s7, $0x38;
	[tilespmem:$0x3100] =	vst v63  }
0xd: {  	_ = 	snop  }
0xe: {  	[tilespmem:s9], [sflag:$0x1] =	stream.linear.gather [hbm4b:s3+s1], $0x7E, $0x38;
	[tilespmem:$0x3100] =	vst v63  }
0xf: {  	_ =	swait.ge [sflag:s10], $0x1800  }
0x10: {  	[sflag:s10] =	ssyncset.done $0x0  }
0x11: {  	[sflag:s10] =	ssyncadd.s32 $0xFFFFE800  }
0x12: {  	_ =	swait.ge [sflag:s10], $0x7E  }
0x13: {  	[sflag:s10] =	ssyncset.done $0x0  }
0x14: {  	[sflag:s10] =	ssyncadd.s32 $0xFFFFFF82  }
0x15: {  	v57 =	vld [tilespmem:$0x1810];
	_ =	sdelay $0x2  }
0x16: {  	v9 =	vld [tilespmem:$0x1820];
	_ =	sdelay $0x1  }
0x17: {  	v11 =	vld [tilespmem:$0x1830];
	v16 =	vbroadcast v57, $0x2  }
0x18: {  	v17 =	vbroadcast v57, $0x8  }
0x19: {  	v18 =	vbroadcast v57, $0xE;
	[tilespmem:$0x1F940] =	vst v16  }
0x1a: {  	v19 =	vbroadcast v9, $0x4;
	[tilespmem:$0x1F950] =	vst v17  }
0x1b: {  	v20 =	vbroadcast v9, $0xA;
	[tilespmem:$0x1F960] =	vst v18  }
0x1c: {  	v21 =	vbroadcast v11, $0x0;
	[tilespmem:$0x1F970] =	vst v19  }
0x1d: {  	v22 =	vbroadcast v11, $0x6;
	[tilespmem:$0x1F980] =	vst v20  }
0x1e: {  	v23 =	vbroadcast v11, $0xC;
	[tilespmem:$0x1F990] =	vst v21  }
0x1f: {  	v24 =	vbroadcast v57, $0x3;
	[tilespmem:$0x1F9A0] =	vst v22  }
0x20: {  	v25 =	vbroadcast v57, $0x9;
	[tilespmem:$0x1F9B0] =	vst v23  }
0x21: {  	v26 =	vbroadcast v57, $0xF;
	[tilespmem:$0x1F9C0] =	vst v24  }
0x22: {  	v27 =	vbroadcast v9, $0x5;
	[tilespmem:$0x1F9D0] =	vst v25  }
0x23: {  	v28 =	vbroadcast v9, $0xB;
	[tilespmem:$0x1F9E0] =	vst v26  }
0x24: {  	v29 =	vbroadcast v11, $0x1;
	[tilespmem:$0x1F9F0] =	vst v27  }
0x25: {  	v30 =	vbroadcast v11, $0x7;
	[tilespmem:$0x1FA00] =	vst v28  }
0x26: {  	v31 =	vbroadcast v11, $0xD;
	[tilespmem:$0x1FA10] =	vst v29  }
0x27: {  	v32 =	vbroadcast v57, $0x4;
	[tilespmem:$0x1FA20] =	vst v30  }
0x28: {  	v33 =	vbroadcast v57, $0xA;
	[tilespmem:$0x1FA30] =	vst v31  }
0x29: {  	v34 =	vbroadcast v9, $0x0;
	[tilespmem:$0x1FA40] =	vst v32  }
0x2a: {  	v35 =	vbroadcast v9, $0x6;
	[tilespmem:$0x1FA50] =	vst v33  }
0x2b: {  	v36 =	vbroadcast v9, $0xC;
	[tilespmem:$0x1FA60] =	vst v34  }
0x2c: {  	v37 =	vbroadcast v11, $0x2;
	[tilespmem:$0x1FA70] =	vst v35  }
0x2d: {  	v38 =	vbroadcast v11, $0x8;
	[tilespmem:$0x1FA80] =	vst v36  }
0x2e: {  	v39 =	vbroadcast v11, $0xE;
	[tilespmem:$0x1FA90] =	vst v37  }
0x2f: {  	v40 =	vbroadcast v57, $0x5;
	[tilespmem:$0x1FAA0] =	vst v38  }
0x30: {  	v41 =	vbroadcast v57, $0xB;
	[tilespmem:$0x1FAB0] =	vst v39  }
0x31: {  	v42 =	vbroadcast v9, $0x1;
	[tilespmem:$0x1FAC0] =	vst v40  }
0x32: {  	v43 =	vbroadcast v9, $0x7;
	[tilespmem:$0x1FAD0] =	vst v41  }
0x33: {  	v44 =	vbroadcast v9, $0xD;
	[tilespmem:$0x1FAE0] =	vst v42  }
0x34: {  	v45 =	vbroadcast v11, $0x3;
	[tilespmem:$0x1FAF0] =	vst v43  }
0x35: {  	v46 =	vbroadcast v11, $0x9;
	[tilespmem:$0x1FB00] =	vst v44  }
0x36: {  	v47 =	vbroadcast v11, $0xF;
	[tilespmem:$0x1FB10] =	vst v45  }
0x37: {  	v48 =	vbroadcast v57, $0x6;
	[tilespmem:$0x1FB20] =	vst v46  }
0x38: {  	v0 =	vld [tilespmem:$0x1800];
	v49 =	vbroadcast v57, $0xC;
	[tilespmem:$0x1FB30] =	vst v47  }
0x39: {  	v50 =	vbroadcast v9, $0x2;
	[tilespmem:$0x1FB40] =	vst v48  }
0x3a: {  	v51 =	vbroadcast v9, $0x8;
	[tilespmem:$0x1FB50] =	vst v49  }
0x3b: {  	v52 =	vld [tilespmem:$0x1840];
	v53 =	vbroadcast v9, $0xE;
	[tilespmem:$0x1FB60] =	vst v50  }
0x3c: {  	v54 =	vbroadcast v11, $0x4;
	[tilespmem:$0x1FB70] =	vst v51  }
0x3d: {  	v1 =	vshrl.u32 v0, $0x10;
	v55 =	vbroadcast v11, $0xA;
	[tilespmem:$0x1FB80] =	vst v53  }
0x3e: {  	v56 =	vbroadcast v57, $0x7;
	v1 =	vand.u32 $0x1, v1;
	[tilespmem:$0x1FB90] =	vst v54  }
0x3f: {  	v0 =	vadd.s32 v1, v0;
	[tilespmem:$0x1FBA0] =	vst v55;
	v1 =	vbroadcast v57, $0xD  }
0x40: {  	[tilespmem:$0x1FBB0] =	vst v56;
	v16 =	vbroadcast v52, $0x1;
	v0 =	vadd.s32 $0x7FFF, v0  }
0x41: {  	v17 =	vbroadcast v52, $0x7;
	v0 =	vand.u32 $0xFFFF0000, v0;
	[tilespmem:$0x1FBC0] =	vst v1  }
0x42: {  	[tilespmem:$0x1FCF0] =	vst v16;
	v2 =	vbroadcast v0, $0x0  }
0x43: {  	[tilespmem:$0x1FD00] =	vst v17;
	v58 =	vbroadcast v0, $0x1  }
0x44: {  	v59 =	vbroadcast v0, $0x2;
	[tilespmem:$0x1F820] =	vst v2  }
0x45: {  	v60 =	vbroadcast v0, $0x3;
	[tilespmem:$0x1F830] =	vst v58  }
0x46: {  	v61 =	vbroadcast v0, $0x4;
	[tilespmem:$0x1F840] =	vst v59  }
0x47: {  	v62 =	vbroadcast v0, $0x5;
	[tilespmem:$0x1F850] =	vst v60  }
0x48: {  	v3 =	vbroadcast v0, $0x6;
	[tilespmem:$0x1F860] =	vst v61  }
0x49: {  	v6 =	vbroadcast v0, $0x7;
	[tilespmem:$0x1F870] =	vst v62  }
0x4a: {  	v7 =	vbroadcast v0, $0x8;
	[tilespmem:$0x1F880] =	vst v3  }
0x4b: {  	v8 =	vbroadcast v0, $0x9;
	[tilespmem:$0x1F890] =	vst v6  }
0x4c: {  	v4 =	vbroadcast v0, $0xA;
	[tilespmem:$0x1F8A0] =	vst v7  }
0x4d: {  	v10 =	vbroadcast v0, $0xB;
	[tilespmem:$0x1F8B0] =	vst v8  }
0x4e: {  	v5 =	vbroadcast v0, $0xC;
	[tilespmem:$0x1F8C0] =	vst v4  }
0x4f: {  	v12 =	vbroadcast v0, $0xD;
	[tilespmem:$0x1F8D0] =	vst v10  }
0x50: {  	v13 =	vbroadcast v0, $0xE;
	[tilespmem:$0x1F8E0] =	vst v5  }
0x51: {  	v0 =	vbroadcast v0, $0xF;
	[tilespmem:$0x1F8F0] =	vst v12  }
0x52: {  	[tilespmem:$0x1F900] =	vst v13;
	v58 =	vbroadcast v9, $0x9  }
0x53: {  	[tilespmem:$0x1F910] =	vst v0;
	v59 =	vbroadcast v9, $0xF  }
0x54: {  	v60 =	vbroadcast v11, $0x5;
	[tilespmem:$0x1FBE0] =	vst v58  }
0x55: {  	v61 =	vbroadcast v11, $0xB;
	[tilespmem:$0x1FBF0] =	vst v59  }
0x56: {  	v63 =	vshrl.u32 v57, $0x10;
	v62 =	vbroadcast v52, $0x2;
	[tilespmem:$0x1FC00] =	vst v60  }
0x57: {  	v2 =	vand.u32 $0x1, v63;
	v63 =	vbroadcast v52, $0x8;
	[tilespmem:$0x1FC10] =	vst v61  }
0x58: {  	v4 =	vbroadcast v52, $0xE;
	[tilespmem:$0x1FC20] =	vst v62  }
0x59: {  	v5 =	vbroadcast v52, $0x3;
	[tilespmem:$0x1FC30] =	vst v63  }
0x5a: {  	v6 =	vbroadcast v52, $0x9;
	[tilespmem:$0x1FC40] =	vst v4  }
0x5b: {  	v7 =	vbroadcast v52, $0xF;
	[tilespmem:$0x1FC50] =	vst v5  }
0x5c: {  	v24 =	vld [tilespmem:$0x1860];
	v10 =	vbroadcast v52, $0xA;
	[tilespmem:$0x1FC60] =	vst v6  }
0x5d: {  	v11 =	vbroadcast v52, $0x5;
	[tilespmem:$0x1FC70] =	vst v7  }
0x5e: {  	v12 =	vbroadcast v52, $0xB;
	[tilespmem:$0x1FC90] =	vst v10  }
0x5f: {  	v13 =	vbroadcast v52, $0x0;
	[tilespmem:$0x1FCA0] =	vst v11  }
0x60: {  	v0 =	vbroadcast v52, $0xD;
	[tilespmem:$0x1FCB0] =	vst v12  }
0x61: {  	v34 =	vbroadcast v24, $0x0;
	[tilespmem:$0x1FCC0] =	vst v13  }
0x62: {  	v35 =	vbroadcast v24, $0x6;
	[tilespmem:$0x1FD10] =	vst v0  }
0x63: {  	v36 =	vbroadcast v24, $0xC;
	[tilespmem:$0x1FE20] =	vst v34  }
0x64: {  	v37 =	vbroadcast v24, $0x1;
	[tilespmem:$0x1FE30] =	vst v35  }
0x65: {  	v38 =	vbroadcast v24, $0x7;
	[tilespmem:$0x1FE40] =	vst v36  }
0x66: {  	v39 =	vbroadcast v24, $0xD;
	[tilespmem:$0x1FE50] =	vst v37  }
0x67: {  	v41 =	vbroadcast v24, $0x2;
	[tilespmem:$0x1FE60] =	vst v38  }
0x68: {  	v42 =	vbroadcast v24, $0x8;
	[tilespmem:$0x1FE70] =	vst v39  }
0x69: {  	v43 =	vbroadcast v24, $0xE;
	[tilespmem:$0x1FE80] =	vst v41  }
0x6a: {  	v44 =	vbroadcast v24, $0x3;
	[tilespmem:$0x1FE90] =	vst v42  }
0x6b: {  	v40 =	vld [tilespmem:$0x1870];
	v45 =	vbroadcast v24, $0x9;
	[tilespmem:$0x1FEA0] =	vst v43  }
0x6c: {  	v46 =	vbroadcast v24, $0xF;
	[tilespmem:$0x1FEB0] =	vst v44  }
0x6d: {  	v47 =	vbroadcast v24, $0x4;
	[tilespmem:$0x1FEC0] =	vst v45  }
0x6e: {  	v48 =	vbroadcast v24, $0xA;
	[tilespmem:$0x1FED0] =	vst v46  }
0x6f: {  	v49 =	vbroadcast v24, $0x5;
	[tilespmem:$0x1FEE0] =	vst v47  }
0x70: {  	v50 =	vbroadcast v40, $0x2;
	[tilespmem:$0x1FEF0] =	vst v48  }
0x71: {  	v51 =	vbroadcast v40, $0x8;
	[tilespmem:$0x1FF00] =	vst v49  }
0x72: {  	v53 =	vbroadcast v40, $0x9;
	[tilespmem:$0x1FF20] =	vst v50  }
0x73: {  	v54 =	vbroadcast v40, $0x4;
	[tilespmem:$0x1FF30] =	vst v51  }
0x74: {  	v55 =	vbroadcast v40, $0xA;
	[tilespmem:$0x1FF50] =	vst v53  }
0x75: {  	v56 =	vbroadcast v40, $0x5;
	[tilespmem:$0x1FF60] =	vst v54  }
0x76: {  	v2 =	vadd.s32 v2, v57;
	v57 =	vbroadcast v9, $0x3;
	[tilespmem:$0x1FF70] =	vst v55  }
0x77: {  	v9 =	vbroadcast v52, $0x4;
	[tilespmem:$0x1FF80] =	vst v56  }
0x78: {  	v0 =	vbroadcast v24, $0xB;
	[tilespmem:$0x1FBD0] =	vst v57  }
0x79: {  	v58 =	vbroadcast v40, $0x0;
	[tilespmem:$0x1FC80] =	vst v9  }
0x7a: {  	v59 =	vbroadcast v40, $0x6;
	[tilespmem:$0x1FF10] =	vst v0  }
0x7b: {  	v60 =	vbroadcast v40, $0xC;
	[tilespmem:$0x1FFA0] =	vst v58  }
0x7c: {  	v61 =	vbroadcast v40, $0x1;
	[tilespmem:$0x1FFB0] =	vst v59  }
0x7d: {  	v8 =	vld [tilespmem:$0x1850];
	v62 =	vbroadcast v40, $0x7;
	[tilespmem:$0x1FFC0] =	vst v60  }
0x7e: {  	v2 =	vadd.s32 $0x7FFF, v2;
	v63 =	vbroadcast v40, $0xD;
	[tilespmem:$0x1FFD0] =	vst v61  }
0x7f: {  	v2 =	vand.u32 $0xFFFF0000, v2;
	v57 =	vbroadcast v40, $0xB;
	[tilespmem:$0x1FFE0] =	vst v62  }
0x80: {  	v14 =	vbroadcast v2, $0x0;
	[tilespmem:$0x1FFF0] =	vst v63  }
0x81: {  	v15 =	vbroadcast v2, $0x1;
	[tilespmem:$0x1FF90] =	vst v57  }
0x82: {  	v18 =	vbroadcast v8, $0x4;
	[tilespmem:$0x1F920] =	vst v14  }
0x83: {  	v19 =	vbroadcast v8, $0xA;
	[tilespmem:$0x1F930] =	vst v15  }
0x84: {  	v20 =	vbroadcast v8, $0x5;
	[tilespmem:$0x1FD20] =	vst v18  }
0x85: {  	v21 =	vbroadcast v8, $0xB;
	[tilespmem:$0x1FD30] =	vst v19  }
0x86: {  	v22 =	vbroadcast v8, $0x0;
	[tilespmem:$0x1FD40] =	vst v20  }
0x87: {  	v23 =	vbroadcast v8, $0x6;
	[tilespmem:$0x1FD50] =	vst v21  }
0x88: {  	v25 =	vbroadcast v8, $0xC;
	[tilespmem:$0x1FD60] =	vst v22  }
0x89: {  	v26 =	vbroadcast v8, $0x1;
	[tilespmem:$0x1FD70] =	vst v23  }
0x8a: {  	v27 =	vbroadcast v8, $0x7;
	[tilespmem:$0x1FD80] =	vst v25  }
0x8b: {  	v28 =	vbroadcast v8, $0xD;
	[tilespmem:$0x1FD90] =	vst v26  }
0x8c: {  	v29 =	vbroadcast v8, $0x2;
	[tilespmem:$0x1FDA0] =	vst v27  }
0x8d: {  	v30 =	vbroadcast v8, $0x8;
	[tilespmem:$0x1FDB0] =	vst v28  }
0x8e: {  	v31 =	vbroadcast v8, $0xE;
	[tilespmem:$0x1FDC0] =	vst v29  }
0x8f: {  	v32 =	vbroadcast v8, $0x3;
	[tilespmem:$0x1FDD0] =	vst v30  }
0x90: {  	v33 =	vbroadcast v8, $0x9;
	[tilespmem:$0x1FDE0] =	vst v31  }
0x91: {  	v1 =	vbroadcast v8, $0xF;
	[tilespmem:$0x1FDF0] =	vst v32  }
0x92: {  	v14 =	vbroadcast v52, $0x6;
	[tilespmem:$0x1FE00] =	vst v33  }
0x93: {  	v15 =	vbroadcast v52, $0xC;
	[tilespmem:$0x1FE10] =	vst v1  }
0x94: {  	v52 =	vbroadcast v40, $0x3;
	[tilespmem:$0x1FCD0] =	vst v14  }
0x95: {  	[tilespmem:$0x1FCE0] =	vst v15  }
0x96: {  	s13 =	simm.s32 $0xFFFFFFFC;
	s14 =	simm.s32 $0xC00;
	s15 =	simm.s32 $0x2500;
	[tilespmem:$0x1FF40] =	vst v52  }
.LBB2_2:
0x97: {  	v7 =	vld [tilespmem:s14+$0xFFFFF400]  }
0x98: {  	v8 =	vld [tilespmem:s14+$0xFFFFF800]  }
0x99: {  	v6 =	vld [tilespmem:s14+$0xFFFFFC00]  }
0x9a: {  	v4 =	vld [tilespmem:s14+$0x0]  }
0x9b: {  	v3 =	vld [tilespmem:s14+$0x400]  }
0x9c: {  	v5 =	vld [tilespmem:s14+$0x800]  }
0x9d: {  	v22 =	vld [tilespmem:$0x1F820]  }
0x9e: {  	v23 =	vld [tilespmem:$0x1F830]  }
0x9f: {  	v25 =	vld [tilespmem:$0x1F840];
	v0 =	vshrl.u32 v7, $0x10;
	v1 =	vshrl.u32 v8, $0x10  }
0xa0: {  	v26 =	vld [tilespmem:$0x1F880];
	v2 =	vshrl.u32 v6, $0x10;
	v9 =	vshrl.u32 v4, $0x10;
	v0 =	vand.u32 $0x1, v0  }
0xa1: {  	v29 =	vld [tilespmem:$0x1F890];
	v1 =	vand.u32 $0x1, v1;
	v2 =	vand.u32 $0x1, v2;
	v9 =	vand.u32 $0x1, v9  }
0xa2: {  	v36 =	vld [tilespmem:$0x1F8E0];
	v0 =	vadd.s32 v0, v7;
	v1 =	vadd.s32 v1, v8;
	v2 =	vadd.s32 v2, v6  }
0xa3: {  	v30 =	vld [tilespmem:$0x1F8A0];
	v9 =	vadd.s32 v9, v4;
	v0 =	vadd.s32 $0x7FFF, v0;
	v1 =	vadd.s32 $0x7FFF, v1  }
0xa4: {  	v31 =	vld [tilespmem:$0x1F850];
	v2 =	vadd.s32 $0x7FFF, v2;
	v0 =	vand.u32 $0xFFFF0000, v0;
	v1 =	vand.u32 $0xFFFF0000, v1  }
0xa5: {  	v34 =	vld [tilespmem:$0x1F8B0];
	v9 =	vadd.s32 $0x7FFF, v9;
	v11 =	vmul.f32 v0, v22;
	v12 =	vmul.f32 v1, v23  }
0xa6: {  	v35 =	vld [tilespmem:$0x1F8F0];
	v2 =	vand.u32 $0xFFFF0000, v2;
	v14 =	vmul.f32 v0, v26;
	v15 =	vmul.f32 v1, v29  }
0xa7: {  	v32 =	vld [tilespmem:$0x1F900];
	v10 =	vshrl.u32 v3, $0x10;
	v9 =	vand.u32 $0xFFFF0000, v9;
	v47 =	vmul.f32 v2, v25  }
0xa8: {  	v54 =	vld [tilespmem:$0x1F860];
	v49 =	vmul.f32 v2, v30;
	v11 =	vadd.f32 v12, v11;
	v14 =	vadd.f32 v15, v14  }
0xa9: {  	v33 =	vld [tilespmem:$0x1F910];
	v13 =	vshrl.u32 v5, $0x10;
	v10 =	vand.u32 $0x1, v10;
	v48 =	vmul.f32 v9, v31  }
0xaa: {  	v28 =	vld [tilespmem:$0x1F870];
	v58 =	vmul.f32 v9, v34;
	v11 =	vadd.f32 v47, v11;
	v57 =	vadd.f32 v49, v14  }
0xab: {  	v13 =	vand.u32 $0x1, v13;
	v0 =	vmul.f32 v0, v36;
	v1 =	vmul.f32 v1, v35;
	v47 =	vld [tilespmem:$0x1F8C0]  }
0xac: {  	v10 =	vadd.s32 v10, v3;
	v51 =	vadd.f32 v48, v11;
	v11 =	vadd.f32 v58, v57;
	v58 =	vld [tilespmem:$0x1F920]  }
0xad: {  	v27 =	vld [tilespmem:$0x1F8D0];
	v13 =	vadd.s32 v13, v5;
	v50 =	vmul.f32 v2, v32;
	v0 =	vadd.f32 v1, v0  }
0xae: {  	v37 =	vld [tilespmem:$0x1F930];
	v10 =	vadd.s32 $0x7FFF, v10;
	v13 =	vadd.s32 $0x7FFF, v13  }
0xaf: {  	v10 =	vand.u32 $0xFFFF0000, v10;
	v60 =	vmul.f32 v9, v33;
	v0 =	vadd.f32 v50, v0  }
0xb0: {  	v61 =	vand.u32 $0xFFFF0000, v13;
	v59 =	vmul.f32 v10, v54;
	v62 =	vmul.f32 v10, v47  }
0xb1: {  	v16 =	vmul.f32 v61, v28;
	v0 =	vadd.f32 v60, v0;
	v63 =	vmul.f32 v10, v58  }
0xb2: {  	v17 =	vmul.f32 v61, v27;
	v2 =	vadd.f32 v59, v51;
	v11 =	vadd.f32 v62, v11  }
0xb3: {  	v18 =	vmul.f32 v61, v37;
	v0 =	vadd.f32 v63, v0  }
0xb4: {  	v2 =	vadd.f32 v16, v2;
	v9 =	vadd.f32 v17, v11  }
0xb5: {  	v0 =	vadd.f32 v18, v0  }
0xb6: {  	v19 =	vmax.f32 v2, v9  }
0xb7: {  	v1 =	vmax.f32 v19, v0  }
0xb8: {  	v10 =	vsub.f32 v2, v1  }
0xb9: {  	v11 =	vsub.f32 v9, v1  }
0xba: {  	v10 =	vmul.f32 $1.442695020e+00, v10  }
0xbb: {  	v1 =	vsub.f32 v0, v1;
	v11 =	vmul.f32 $1.442695020e+00, v11  }
0xbc: {  	(erf) = vpow2.f32 v10  }
0xbd: {  	v1 =	vmul.f32 $1.442695020e+00, v1;
	(erf) = vpow2.f32 v11;
	_ =	sdelay $0x1  }
0xbe: {  	(erf) = vpow2.f32 v1;
	_ =	sdelay $0x5  }
0xbf: {  	v20 =	vpop (erf)  }
0xc0: {  	v21 =	vpop (erf)  }
0xc1: {  	v41 =	vld [tilespmem:$0x1F940];
	v24 =	vadd.f32 v21, v20  }
0xc2: {  	v44 =	vld [tilespmem:$0x1F950];
	v38 =	vpop (erf)  }
0xc3: {  	v52 =	vld [tilespmem:$0x1F960];
	v11 =	vadd.f32 v24, v38  }
0xc4: {  	v56 =	vld [tilespmem:$0x1F9B0]  }
0xc5: {  	v40 =	vld [tilespmem:$0x1FE40];
	(erf) = vrcp.f32 v11  }
0xc6: {  	v53 =	vld [tilespmem:$0x1FC20]  }
0xc7: {  	v55 =	vld [tilespmem:$0x1F980]  }
0xc8: {  	v57 =	vld [tilespmem:$0x1F9A0]  }
0xc9: {  	v39 =	vld [tilespmem:$0x1F990]  }
0xca: {  	v42 =	vmul.f32 v4, v40;
	v40 =	vld [tilespmem:$0x1FA90]  }
0xcb: {  	v51 =	vld [tilespmem:$0x1F970]  }
0xcc: {  	v43 =	vmul.f32 v7, v41;
	v14 =	vmul.f32 v8, v44;
	v44 =	vld [tilespmem:$0x1FF30]  }
0xcd: {  	v50 =	vmul.f32 v8, v56;
	v59 =	vld [tilespmem:$0x1FC30];
	v49 =	vmul.f32 v7, v57  }
0xce: {  	v46 =	vadd.f32 v14, v43;
	v48 =	vmul.f32 v6, v52;
	v14 =	vmul.f32 v6, v53;
	v16 =	vld [tilespmem:$0x1FE20];
	v11 =	vpop (erf)  }
0xcf: {  	v60 =	vld [tilespmem:$0x1FD30];
	v13 =	vadd.f32 v50, v49;
	v1 =	vmul.f32 v11, v20;
	v45 =	vmul.f32 v11, v21  }
0xd0: {  	v43 =	vld [tilespmem:$0x1FF20];
	v10 =	vadd.f32 v48, v46;
	v12 =	vmul.f32 v11, v38;
	v11 =	vmul.f32 v4, v51  }
0xd1: {  	v63 =	vmul.f32 v5, v39;
	vm0 =	vlt.f32 v2, v9;
	vm2 =	vle.f32 v9, v2;
	v20 =	vld [tilespmem:$0x1FE30]  }
0xd2: {  	v13 =	vadd.f32 v14, v13;
	v10 =	vadd.f32 v11, v10;
	v11 =	vmul.f32 v3, v55;
	v55 =	vld [tilespmem:$0x1FC40]  }
0xd3: {  	v49 =	vld [tilespmem:$0x1FA20];
	v14 =	vmul.f32 v4, v59;
	v16 =	vmul.f32 v8, v16;
	vm1 =	vlt.f32 v2, v0  }
0xd4: {  	v50 =	vld [tilespmem:$0x1FD20];
	vm3 =	vlt.f32 v9, v0;
	vm6 =	vle.f32 v0, v2;
	v2 =	vmul.f32 v7, v60  }
0xd5: {  	v61 =	vadd.f32 v14, v13;
	vm7 =	vle.f32 v0, v9;
	v9 =	vmul.f32 v3, v43;
	v43 =	vld [tilespmem:$0x1F9D0]  }
0xd6: {  	v59 =	vld [tilespmem:$0x1FA30];
	v13 =	vmul.f32 v5, v44;
	v2 =	vadd.f32 v16, v2;
	v16 =	vmul.f32 v6, v20  }
0xd7: {  	vm0 =	vmand vm0, vm1;
	vm15 =	vmand vm2, vm3;
	v48 =	vld [tilespmem:$0x1F9C0];
	v62 =	vmul.f32 v3, v55  }
0xd8: {  	v18 =	vld [tilespmem:$0x1FA00];
	vm8 =	vmand vm6, vm7;
	v53 =	vmul.f32 v7, v49;
	v2 =	vadd.f32 v16, v2  }
0xd9: {  	v60 =	vld [tilespmem:$0x1F9E0];
	v24 =	vmul.f32 v5, v50;
	v10 =	vadd.f32 v11, v10;
	v21 =	vadd.f32 v62, v61  }
0xda: {  	v44 =	vld [tilespmem:$0x1FE60];
	v46 =	vmul.f32 v8, v43;
	v11 =	vsel vm15, $0x0, v45;
	v2 =	vadd.f32 v42, v2  }
0xdb: {  	v38 =	vadd.f32 v63, v10;
	v63 =	vld [tilespmem:$0x1F9F0];
	v16 =	vmul.f32 v8, v59;
	v0 =	vadd.f32 v24, v21  }
0xdc: {  	v51 =	vld [tilespmem:$0x1FC70];
	v45 =	vmul.f32 v7, v48;
	v10 =	vsel vm0, $0x0, v1;
	v2 =	vadd.f32 v9, v2  }
0xdd: {  	v1 =	vmul.f32 v10, v38;
	v61 =	vadd.f32 v16, v53;
	v62 =	vld [tilespmem:$0x1FC50];
	v0 =	vmul.f32 v11, v0  }
0xde: {  	v16 =	vld [tilespmem:$0x1FC60];
	v9 =	vadd.f32 v46, v45;
	v2 =	vadd.f32 v13, v2;
	v13 =	vmul.f32 v6, v60  }
0xdf: {  	v12 =	vsel vm8, $0x0, v12;
	v53 =	vld [tilespmem:$0x1FA50];
	v0 =	vadd.f32 v0, v1  }
0xe0: {  	v24 =	vld [tilespmem:$0x1FA40];
	v2 =	vmul.f32 v12, v2;
	v9 =	vadd.f32 v13, v9;
	v13 =	vmul.f32 v4, v63  }
0xe1: {  	v19 =	vmul.f32 v3, v18;
	v20 =	vld [tilespmem:$0x1FA10]  }
0xe2: {  	v42 =	vld [tilespmem:$0x1FE50];
	v14 =	vmul.f32 v6, v62;
	v0 =	vadd.f32 v0, v2;
	v17 =	vadd.f32 v13, v9  }
0xe3: {  	v45 =	vld [tilespmem:$0x1FD50]  }
0xe4: {  	v1 =	vadd.f32 v14, v61;
	v14 =	vmul.f32 v4, v16;
	[tilespmem:$0x1F730] =	vst v0;
	v0 =	vadd.f32 v19, v17;
	v17 =	vld [tilespmem:$0x1FA60]  }
0xe5: {  	v59 =	vmul.f32 v8, v53;
	v62 =	vld [tilespmem:$0x1FD40];
	v38 =	vmul.f32 v7, v24  }
0xe6: {  	v21 =	vmul.f32 v3, v51;
	v1 =	vadd.f32 v14, v1;
	v19 =	vld [tilespmem:$0x1FA70]  }
0xe7: {  	v2 =	vadd.f32 v59, v38;
	v38 =	vld [tilespmem:$0x1FE70]  }
0xe8: {  	v60 =	vmul.f32 v7, v45;
	v61 =	vmul.f32 v8, v42;
	v1 =	vadd.f32 v21, v1;
	v21 =	vld [tilespmem:$0x1FA80]  }
0xe9: {  	v46 =	vld [tilespmem:$0x1FF40];
	v63 =	vmul.f32 v6, v17  }
0xea: {  	v18 =	vmul.f32 v6, v44;
	v9 =	vmul.f32 v5, v20;
	v59 =	vld [tilespmem:$0x1FAB0];
	v17 =	vadd.f32 v61, v60  }
0xeb: {  	v53 =	vmul.f32 v5, v40;
	v14 =	vmul.f32 v4, v19;
	v61 =	vld [tilespmem:$0x1FAA0];
	v2 =	vadd.f32 v63, v2  }
0xec: {  	v0 =	vadd.f32 v9, v0;
	v20 =	vmul.f32 v4, v38;
	v9 =	vadd.f32 v18, v17  }
0xed: {  	v40 =	vld [tilespmem:$0x1FF50];
	v16 =	vmul.f32 v5, v62;
	v2 =	vadd.f32 v14, v2;
	v14 =	vmul.f32 v3, v21  }
0xee: {  	v24 =	vmul.f32 v3, v46;
	v60 =	vld [tilespmem:$0x1FE80];
	v9 =	vadd.f32 v20, v9  }
0xef: {  	v1 =	vadd.f32 v16, v1;
	v2 =	vadd.f32 v14, v2  }
0xf0: {  	v63 =	vmul.f32 v8, v59;
	v62 =	vmul.f32 v7, v61;
	v18 =	vadd.f32 v24, v9;
	v24 =	vld [tilespmem:$0x1FD80]  }
0xf1: {  	v0 =	vmul.f32 v10, v0;
	v2 =	vadd.f32 v53, v2;
	v53 =	vld [tilespmem:$0x1FC80]  }
0xf2: {  	v1 =	vmul.f32 v11, v1;
	v19 =	vmul.f32 v5, v40;
	v20 =	vadd.f32 v63, v62;
	v63 =	vld [tilespmem:$0x1FD60]  }
0xf3: {  	v15 =	vmul.f32 v8, v60;
	v60 =	vld [tilespmem:$0x1FC90]  }
0xf4: {  	v0 =	vadd.f32 v1, v0;
	v1 =	vadd.f32 v19, v18;
	v19 =	vld [tilespmem:$0x1FD70]  }
0xf5: {  	v18 =	vld [tilespmem:$0x1FE90]  }
0xf6: {  	v9 =	vmul.f32 v7, v24;
	v24 =	vld [tilespmem:$0x1FB20];
	v21 =	vmul.f32 v6, v53  }
0xf7: {  	v16 =	vmul.f32 v3, v63;
	v63 =	vld [tilespmem:$0x1FB30]  }
0xf8: {  	v13 =	vadd.f32 v21, v20;
	v21 =	vld [tilespmem:$0x1FAC0]  }
0xf9: {  	v14 =	vmul.f32 v5, v19;
	v19 =	vld [tilespmem:$0x1FAD0]  }
0xfa: {  	v20 =	vld [tilespmem:$0x1FEA0]  }
0xfb: {  	v9 =	vadd.f32 v15, v9;
	v15 =	vmul.f32 v6, v18  }
0xfc: {  	v62 =	vmul.f32 v4, v60  }
0xfd: {  	v9 =	vadd.f32 v15, v9;
	v15 =	vmul.f32 v7, v21;
	v21 =	vld [tilespmem:$0x1FAE0]  }
0xfe: {  	v13 =	vadd.f32 v62, v13;
	v62 =	vmul.f32 v7, v24;
	v24 =	vld [tilespmem:$0x1FF60];
	v18 =	vmul.f32 v8, v19  }
0xff: {  	v19 =	vmul.f32 v8, v63;
	v17 =	vmul.f32 v4, v20;
	v20 =	vld [tilespmem:$0x1FAF0];
	_ =	sdelay $0x1  }
0x100: {  	v13 =	vadd.f32 v16, v13;
	v16 =	vadd.f32 v19, v62;
	v62 =	vld [tilespmem:$0x1FCA0]  }
0x101: {  	v9 =	vadd.f32 v17, v9;
	v15 =	vadd.f32 v18, v15;
	v17 =	vmul.f32 v6, v21  }
0x102: {  	v18 =	vmul.f32 v3, v24;
	v24 =	vld [tilespmem:$0x1FF70]  }
0x103: {  	v21 =	vld [tilespmem:$0x1FCB0];
	v63 =	vadd.f32 v17, v15;
	v15 =	vmul.f32 v4, v20;
	_ =	sdelay $0x1  }
0x104: {  	v13 =	vadd.f32 v14, v13;
	v19 =	vmul.f32 v6, v62;
	v14 =	vadd.f32 v15, v63;
	v63 =	vld [tilespmem:$0x1FD90]  }
0x105: {  	v62 =	vld [tilespmem:$0x1FB00]  }
0x106: {  	v9 =	vadd.f32 v18, v9;
	v16 =	vadd.f32 v19, v16;
	v18 =	vmul.f32 v5, v24;
	v19 =	vld [tilespmem:$0x1FDA0]  }
0x107: {  	v17 =	vmul.f32 v4, v21  }
0x108: {  	v9 =	vadd.f32 v18, v9;
	v18 =	vld [tilespmem:$0x1FB10]  }
0x109: {  	v16 =	vadd.f32 v17, v16;
	v17 =	vmul.f32 v3, v63  }
0x10a: {  	v2 =	vmul.f32 v10, v2;
	v13 =	vmul.f32 v11, v13  }
0x10b: {  	v15 =	vmul.f32 v3, v62;
	v20 =	vmul.f32 v5, v19;
	v16 =	vadd.f32 v17, v16  }
0x10c: {  	v2 =	vadd.f32 v13, v2;
	v24 =	vld [tilespmem:$0x1FDB0];
	v9 =	vmul.f32 v12, v9  }
0x10d: {  	v14 =	vadd.f32 v15, v14;
	v15 =	vmul.f32 v5, v18;
	v63 =	vld [tilespmem:$0x1FEB0];
	v21 =	vadd.f32 v20, v16  }
0x10e: {  	v20 =	vadd.f32 v2, v9;
	v2 =	vld [tilespmem:s14+$0x10]  }
0x10f: {  	v13 =	vadd.f32 v15, v14;
	v14 =	vmul.f32 v11, v21;
	v21 =	vld [tilespmem:$0x1FEC0]  }
0x110: {  	v18 =	vmul.f32 v12, v1;
	v1 =	vld [tilespmem:s14+$0xFFFFF410]  }
0x111: {  	v62 =	vld [tilespmem:s14+$0xFFFFF810]  }
0x112: {  	v15 =	vmul.f32 v7, v24;
	v24 =	vld [tilespmem:$0x1FB40];
	v16 =	vmul.f32 v8, v63  }
0x113: {  	v0 =	vadd.f32 v0, v18;
	v9 =	vld [tilespmem:s14+$0xFFFFFC10]  }
0x114: {  	[tilespmem:$0x1F750] =	vst v20;
	v15 =	vadd.f32 v16, v15;
	v20 =	vshrl.u32 v2, $0x10;
	v16 =	vmul.f32 v6, v21;
	v21 =	vld [tilespmem:$0x1FB50]  }
0x115: {  	[tilespmem:$0x1F740] =	vst v0;
	v0 =	vld [tilespmem:s14+$0x410];
	v63 =	vshrl.u32 v1, $0x10;
	v20 =	vand.u32 $0x1, v20  }
0x116: {  	v18 =	vand.u32 $0x1, v63;
	v63 =	vshrl.u32 v62, $0x10;
	v20 =	vadd.s32 v20, v2  }
0x117: {  	v17 =	vmul.f32 v7, v24;
	v24 =	vadd.s32 v18, v1;
	v20 =	vadd.s32 $0x7FFF, v20  }
0x118: {  	v15 =	vadd.f32 v16, v15;
	v16 =	vadd.s32 $0x7FFF, v24;
	v24 =	vshrl.u32 v9, $0x10  }
0x119: {  	v16 =	vand.u32 $0xFFFF0000, v16;
	v19 =	vmul.f32 v8, v21;
	v21 =	vand.u32 $0x1, v63  }
0x11a: {  	v22 =	vmul.f32 v16, v22;
	v18 =	vadd.s32 v21, v62;
	v21 =	vshrl.u32 v0, $0x10  }
0x11b: {  	v63 =	vld [tilespmem:s14+$0x810];
	v17 =	vadd.f32 v19, v17;
	v18 =	vadd.s32 $0x7FFF, v18;
	v19 =	vand.u32 $0x1, v24  }
0x11c: {  	v21 =	vand.u32 $0x1, v21;
	v18 =	vand.u32 $0xFFFF0000, v18;
	v19 =	vadd.s32 v19, v9  }
0x11d: {  	v21 =	vadd.s32 v21, v0;
	v19 =	vadd.s32 $0x7FFF, v19;
	v23 =	vmul.f32 v18, v23  }
0x11e: {  	v20 =	vand.u32 $0xFFFF0000, v20;
	v21 =	vadd.s32 $0x7FFF, v21;
	v19 =	vand.u32 $0xFFFF0000, v19  }
0x11f: {  	v21 =	vand.u32 $0xFFFF0000, v21;
	v22 =	vadd.f32 v23, v22;
	v23 =	vmul.f32 v19, v25  }
0x120: {  	v24 =	vshrl.u32 v63, $0x10;
	v25 =	vmul.f32 v16, v26;
	v26 =	vmul.f32 v18, v29  }
0x121: {  	v24 =	vand.u32 $0x1, v24;
	v16 =	vmul.f32 v16, v36;
	v18 =	vmul.f32 v18, v35  }
0x122: {  	v29 =	vmul.f32 v20, v31;
	v31 =	vmul.f32 v19, v30;
	v22 =	vadd.f32 v23, v22  }
0x123: {  	v25 =	vadd.f32 v26, v25;
	v16 =	vadd.f32 v18, v16;
	v18 =	vmul.f32 v19, v32  }
0x124: {  	v30 =	vmovc v54;
	v54 =	vmul.f32 v21, v54;
	v24 =	vadd.s32 v24, v63;
	v32 =	vld [tilespmem:$0x1FB80];
	v19 =	vadd.f32 v29, v22  }
0x125: {  	v26 =	vmul.f32 v20, v33;
	v35 =	vadd.f32 v31, v25;
	v16 =	vadd.f32 v18, v16;
	v25 =	vld [tilespmem:$0x1FED0]  }
0x126: {  	v36 =	vmul.f32 v20, v34;
	v24 =	vadd.s32 $0x7FFF, v24;
	v19 =	vadd.f32 v54, v19;
	v54 =	vld [tilespmem:$0x1FB60]  }
0x127: {  	v34 =	vmul.f32 v21, v47;
	v33 =	vand.u32 $0xFFFF0000, v24;
	v16 =	vadd.f32 v26, v16;
	v26 =	vld [tilespmem:$0x1FB70]  }
0x128: {  	v22 =	vadd.f32 v36, v35;
	v35 =	vmul.f32 v21, v58;
	v36 =	vmul.f32 v33, v28;
	v28 =	vld [tilespmem:$0x1FF80]  }
0x129: {  	v31 =	vmovc v47;
	v29 =	vmov v58;
	v47 =	vmul.f32 v33, v27;
	v58 =	vmul.f32 v33, v37;
	v33 =	vld [tilespmem:$0x1FB90]  }
0x12a: {  	v22 =	vadd.f32 v34, v22;
	v16 =	vadd.f32 v35, v16;
	v35 =	vld [tilespmem:$0x1FBA0]  }
0x12b: {  	v19 =	vadd.f32 v36, v19;
	v36 =	vld [tilespmem:$0x1FCC0]  }
0x12c: {  	v13 =	vmul.f32 v10, v13;
	v21 =	vadd.f32 v47, v22;
	v47 =	vld [tilespmem:$0x1FCD0]  }
0x12d: {  	v20 =	vmul.f32 v4, v25;
	v16 =	vadd.f32 v58, v16;
	v58 =	vld [tilespmem:$0x1FEE0]  }
0x12e: {  	v13 =	vadd.f32 v14, v13;
	v24 =	vmul.f32 v6, v54;
	v22 =	vmul.f32 v4, v26;
	v54 =	vld [tilespmem:$0x1FDE0]  }
0x12f: {  	v14 =	vadd.f32 v20, v15;
	v20 =	vmul.f32 v3, v32;
	v32 =	vld [tilespmem:$0x1FEF0];
	v27 =	vmax.f32 v19, v21  }
0x130: {  	v17 =	vadd.f32 v24, v17;
	v15 =	vmax.f32 v27, v16;
	v24 =	vmul.f32 v7, v35;
	v35 =	vld [tilespmem:$0x1FFA0]  }
0x131: {  	v25 =	vmul.f32 v8, v36;
	v36 =	vld [tilespmem:$0x1FBB0];
	v34 =	vsub.f32 v19, v15  }
0x132: {  	v37 =	vsub.f32 v21, v15;
	v17 =	vadd.f32 v22, v17;
	v22 =	vmul.f32 v5, v33;
	v33 =	vld [tilespmem:$0x1FF90]  }
0x133: {  	v24 =	vadd.f32 v25, v24;
	v25 =	vmul.f32 v8, v58;
	v58 =	vld [tilespmem:$0x1FBD0];
	v23 =	vmul.f32 $1.442695020e+00, v34  }
0x134: {  	v18 =	vmul.f32 v3, v28;
	vm9 =	vlt.f32 v19, v21;
	v26 =	vmul.f32 $1.442695020e+00, v37;
	v34 =	vld [tilespmem:$0x1FDC0]  }
0x135: {  	vm10 =	vlt.f32 v19, v16;
	v15 =	vsub.f32 v16, v15;
	v37 =	vld [tilespmem:$0x1FBC0];
	(erf) = vpow2.f32 v23  }
0x136: {  	vm11 =	vle.f32 v21, v19;
	v27 =	vmul.f32 v7, v54;
	(erf) = vpow2.f32 v26;
	v26 =	vld [tilespmem:$0x1FCE0]  }
0x137: {  	vm12 =	vlt.f32 v21, v16;
	v15 =	vmul.f32 $1.442695020e+00, v15;
	v54 =	vld [tilespmem:$0x1FFB0];
	v17 =	vadd.f32 v20, v17  }
0x138: {  	v20 =	vmul.f32 v6, v47;
	v47 =	vld [tilespmem:$0x1FDD0];
	v28 =	vadd.f32 v25, v27;
	v23 =	vmul.f32 v6, v32  }
0x139: {  	v14 =	vadd.f32 v18, v14;
	v32 =	vld [tilespmem:$0x1FCF0];
	v17 =	vadd.f32 v22, v17;
	(erf) = vpow2.f32 v15  }
0x13a: {  	v15 =	vmul.f32 v5, v33;
	v22 =	vadd.f32 v23, v28;
	v23 =	vmul.f32 v4, v35;
	v28 =	vld [tilespmem:$0x1FC10]  }
0x13b: {  	vm13 =	vle.f32 v16, v19;
	v24 =	vadd.f32 v20, v24;
	v33 =	vld [tilespmem:$0x1FBE0];
	v20 =	vmul.f32 v4, v26  }
0x13c: {  	v14 =	vadd.f32 v15, v14;
	v15 =	vmul.f32 v7, v36;
	v22 =	vadd.f32 v23, v22;
	v36 =	vld [tilespmem:$0x1FE10]  }
0x13d: {  	v23 =	vmul.f32 v3, v54;
	v54 =	vld [tilespmem:$0x1FBF0];
	v18 =	vadd.f32 v20, v24;
	v20 =	vmul.f32 v3, v34  }
0x13e: {  	vm14 =	vle.f32 v16, v21;
	v19 =	vmul.f32 v63, v39;
	v24 =	vmul.f32 v8, v37;
	v37 =	vld [tilespmem:$0x1FF00]  }
0x13f: {  	v21 =	vmul.f32 v62, v56;
	v34 =	vld [tilespmem:$0x1FD00];
	v18 =	vadd.f32 v20, v18;
	v20 =	vmul.f32 v5, v47  }
0x140: {  	v25 =	vmul.f32 v8, v32;
	v15 =	vadd.f32 v24, v15;
	v24 =	vmul.f32 v6, v58;
	v47 =	vld [tilespmem:$0x1FD10]  }
0x141: {  	v22 =	vadd.f32 v23, v22;
	v23 =	vmul.f32 v4, v33;
	v58 =	vld [tilespmem:$0x1FF10];
	v18 =	vadd.f32 v20, v18  }
0x142: {  	v33 =	vld [tilespmem:$0x1FDF0];
	v20 =	vmul.f32 v7, v28;
	v15 =	vadd.f32 v24, v15;
	v7 =	vmul.f32 v7, v36  }
0x143: {  	vm0 =	vmand vm9, vm10;
	v26 =	vpop (erf);
	v28 =	vmul.f32 v3, v54;
	v8 =	vmul.f32 v8, v37;
	v37 =	vld [tilespmem:$0x1FC00]  }
0x144: {  	v54 =	vld [tilespmem:$0x1FFE0];
	v24 =	vpop (erf);
	v20 =	vadd.f32 v25, v20;
	v25 =	vmul.f32 v6, v34;
	v15 =	vadd.f32 v23, v15  }
0x145: {  	v17 =	vmul.f32 v10, v17;
	v34 =	vld [tilespmem:$0x1FFC0];
	v35 =	vadd.f32 v24, v26;
	v7 =	vadd.f32 v8, v7  }
0x146: {  	v23 =	vpop (erf);
	v6 =	vmul.f32 v6, v58;
	v20 =	vadd.f32 v25, v20;
	v25 =	vmul.f32 v4, v47;
	v47 =	vld [tilespmem:$0x1FE00]  }
0x147: {  	v58 =	vmul.f32 v11, v18;
	v36 =	vadd.f32 v28, v15;
	v27 =	vadd.f32 v35, v23;
	v35 =	vld [tilespmem:$0x1FFD0]  }
0x148: {  	v32 =	vadd.f32 v25, v20;
	v20 =	vmul.f32 v3, v33;
	v15 =	vmul.f32 v5, v37  }
0x149: {  	vm1 =	vmand vm11, vm12;
	v3 =	vmul.f32 v3, v54;
	v54 =	vmul.f32 v9, v52  }
0x14a: {  	v6 =	vadd.f32 v6, v7;
	v52 =	vld [tilespmem:$0x1F970];
	(erf) = vrcp.f32 v27;
	v25 =	vmul.f32 v5, v34  }
0x14b: {  	v28 =	vld [tilespmem:$0x1FFF0];
	v8 =	vadd.f32 v20, v32;
	v7 =	vadd.f32 v15, v36;
	v32 =	vmul.f32 v12, v14  }
0x14c: {  	v20 =	vmul.f32 v5, v47;
	v27 =	vadd.f32 v25, v22;
	v47 =	vld [tilespmem:$0x1F950];
	v4 =	vmul.f32 v4, v35  }
0x14d: {  	v7 =	vmul.f32 v10, v7;
	v34 =	vadd.f32 v13, v32;
	v35 =	vmul.f32 v1, v41;
	v32 =	vld [tilespmem:$0x1FC20]  }
0x14e: {  	v8 =	vadd.f32 v20, v8;
	v20 =	vmul.f32 v1, v57;
	v57 =	vld [tilespmem:$0x1FE40];
	v4 =	vadd.f32 v4, v6  }
0x14f: {  	v33 =	vmul.f32 v12, v27;
	v6 =	vadd.f32 v58, v17;
	v17 =	vmul.f32 v2, v52  }
0x150: {  	[tilespmem:$0x1F760] =	vst v34;
	v34 =	vmul.f32 v1, v48;
	v3 =	vadd.f32 v3, v4;
	v4 =	vmul.f32 v5, v28  }
0x151: {  	v56 =	vld [tilespmem:$0x1FD30];
	v8 =	vmul.f32 v11, v8;
	v36 =	vmul.f32 v62, v47;
	v6 =	vadd.f32 v6, v33  }
0x152: {  	v39 =	vld [tilespmem:$0x1FE20];
	v28 =	vmul.f32 v63, v50;
	v22 =	vmul.f32 v9, v32;
	v3 =	vadd.f32 v4, v3  }
0x153: {  	v37 =	vpop (erf);
	v4 =	vadd.f32 v36, v35;
	v33 =	vmul.f32 v2, v57;
	v35 =	vmul.f32 v62, v43  }
0x154: {  	v5 =	vadd.f32 v21, v20;
	v50 =	vld [tilespmem:$0x1FF20];
	v36 =	vmul.f32 v1, v49;
	v41 =	vmul.f32 v37, v26  }
0x155: {  	[tilespmem:$0x1F770] =	vst v6;
	v6 =	vadd.f32 v8, v7;
	v43 =	vld [tilespmem:$0x1F9E0];
	v58 =	vmul.f32 v37, v24;
	v7 =	vmul.f32 v37, v23  }
0x156: {  	vm2 =	vmand vm13, vm14;
	v23 =	vmul.f32 v1, v56;
	v26 =	vmul.f32 v0, v55;
	v55 =	vld [tilespmem:$0x1FA30]  }
0x157: {  	v24 =	vmul.f32 v62, v39;
	v5 =	vadd.f32 v22, v5;
	v11 =	vsel vm0, $0x0, v41;
	v41 =	vld [tilespmem:$0x1FC30]  }
0x158: {  	v22 =	vmul.f32 v1, v45;
	v3 =	vmul.f32 v12, v3;
	v4 =	vadd.f32 v54, v4;
	v54 =	vld [tilespmem:$0x1F980]  }
0x159: {  	v13 =	vadd.f32 v35, v34;
	v34 =	vmul.f32 v2, v38;
	v12 =	vsel vm1, $0x0, v58;
	v58 =	vld [tilespmem:$0x1FE30]  }
0x15a: {  	v35 =	vmul.f32 v0, v46;
	v10 =	vsel vm2, $0x0, v7;
	v7 =	vadd.f32 v24, v23;
	v24 =	vld [tilespmem:$0x1FA00]  }
0x15b: {  	v46 =	vmul.f32 v63, v40;
	v48 =	vmul.f32 v0, v50  }
0x15c: {  	v15 =	vmul.f32 v9, v43;
	v43 =	vld [tilespmem:$0x1FC50];
	v25 =	vmul.f32 v2, v41  }
0x15d: {  	v23 =	vmul.f32 v62, v42;
	v37 =	vmul.f32 v62, v55  }
0x15e: {  	v20 =	vld [tilespmem:$0x1F9F0];
	v4 =	vadd.f32 v17, v4;
	v18 =	vmul.f32 v0, v54;
	v5 =	vadd.f32 v25, v5  }
0x15f: {  	v21 =	vld [tilespmem:$0x1FC60];
	v27 =	vmul.f32 v9, v58;
	v14 =	vadd.f32 v37, v36;
	v17 =	vmul.f32 v0, v24  }
0x160: {  	v4 =	vadd.f32 v18, v4;
	v18 =	vmul.f32 v9, v53;
	v5 =	vadd.f32 v26, v5  }
0x161: {  	v42 =	vld [tilespmem:$0x1FF30];
	v7 =	vadd.f32 v27, v7;
	v49 =	vmul.f32 v9, v43;
	v25 =	vmul.f32 v0, v51  }
0x162: {  	v27 =	vmul.f32 v9, v44;
	v51 =	vmul.f32 v1, v61;
	v5 =	vadd.f32 v28, v5;
	v28 =	vld [tilespmem:$0x1FA10]  }
0x163: {  	v37 =	vld [tilespmem:$0x1FD40];
	v4 =	vadd.f32 v19, v4;
	v19 =	vadd.f32 v15, v13;
	v13 =	vmul.f32 v2, v20  }
0x164: {  	v40 =	vld [tilespmem:$0x1FAD0];
	v15 =	vmul.f32 v2, v21;
	v7 =	vadd.f32 v33, v7;
	v14 =	vadd.f32 v49, v14  }
0x165: {  	v24 =	vld [tilespmem:$0x1FA80];
	v61 =	vmul.f32 v62, v59;
	v8 =	vadd.f32 v13, v19;
	v13 =	vadd.f32 v23, v22  }
0x166: {  	v26 =	vmul.f32 v63, v42;
	v7 =	vadd.f32 v48, v7;
	v14 =	vadd.f32 v15, v14;
	v48 =	vld [tilespmem:$0x1FA40]  }
0x167: {  	v49 =	vld [tilespmem:$0x1FA50];
	v4 =	vmul.f32 v11, v4;
	v8 =	vadd.f32 v17, v8;
	v17 =	vmul.f32 v63, v28  }
0x168: {  	v53 =	vld [tilespmem:$0x1FD80];
	v33 =	vmul.f32 v63, v37;
	v13 =	vadd.f32 v27, v13;
	v14 =	vadd.f32 v25, v14  }
0x169: {  	v5 =	vmul.f32 v12, v5;
	v7 =	vadd.f32 v26, v7;
	v8 =	vadd.f32 v17, v8;
	v17 =	vld [tilespmem:$0x1FA60]  }
0x16a: {  	v20 =	vld [tilespmem:$0x1FA70];
	v23 =	vmul.f32 v2, v60;
	v13 =	vadd.f32 v34, v13;
	v14 =	vadd.f32 v33, v14  }
0x16b: {  	v60 =	vld [tilespmem:$0x1FE80];
	v36 =	vmul.f32 v10, v7;
	v4 =	vadd.f32 v5, v4;
	v5 =	vmul.f32 v1, v48  }
0x16c: {  	v3 =	vadd.f32 v6, v3;
	v27 =	vld [tilespmem:$0x1FD70];
	v44 =	vmul.f32 v12, v14;
	v14 =	vmul.f32 v62, v49  }
0x16d: {  	v33 =	vld [tilespmem:$0x1FAC0];
	v45 =	vadd.f32 v35, v13;
	v13 =	vadd.f32 v61, v51;
	v28 =	vmul.f32 v1, v53  }
0x16e: {  	[tilespmem:$0x1F780] =	vst v3;
	v26 =	vld [tilespmem:$0x1FD60];
	v3 =	vadd.f32 v4, v36;
	v5 =	vadd.f32 v14, v5;
	v7 =	vmul.f32 v9, v17  }
0x16f: {  	v61 =	vld [tilespmem:$0x1FE90];
	v4 =	vmul.f32 v2, v20;
	v38 =	vmul.f32 v11, v8;
	v8 =	vadd.f32 v46, v45  }
0x170: {  	v34 =	vld [tilespmem:$0x1FAE0];
	v36 =	vmul.f32 v62, v60;
	v22 =	vadd.f32 v18, v13;
	v19 =	vadd.f32 v7, v5  }
0x171: {  	v48 =	vld [tilespmem:$0x1FEA0];
	v14 =	vmul.f32 v62, v40;
	v6 =	vadd.f32 v44, v38;
	v8 =	vmul.f32 v10, v8  }
0x172: {  	v25 =	vld [tilespmem:$0x1FA90];
	[tilespmem:$0x1F790] =	vst v3;
	v38 =	vmul.f32 v1, v33;
	v3 =	vadd.f32 v4, v19;
	v4 =	vmul.f32 v0, v24  }
0x173: {  	v49 =	vld [tilespmem:$0x1FAF0];
	v21 =	vadd.f32 v6, v8;
	v6 =	vmul.f32 v0, v26;
	v5 =	vadd.f32 v23, v22  }
0x174: {  	v35 =	vld [tilespmem:$0x1FCB0];
	v44 =	vmul.f32 v9, v61;
	v3 =	vadd.f32 v4, v3;
	v4 =	vadd.f32 v36, v28  }
0x175: {  	v51 =	vld [tilespmem:$0x1FD90];
	v45 =	vmul.f32 v9, v34;
	v5 =	vadd.f32 v6, v5  }
0x176: {  	v46 =	vmul.f32 v2, v48;
	v17 =	vld [tilespmem:$0x1FB20];
	v6 =	vadd.f32 v14, v38;
	v4 =	vadd.f32 v44, v4  }
0x177: {  	v8 =	vmul.f32 v63, v27;
	v44 =	vld [tilespmem:$0x1FB30]  }
0x178: {  	v59 =	vmul.f32 v2, v49;
	v6 =	vadd.f32 v45, v6;
	v4 =	vadd.f32 v46, v4;
	v46 =	vld [tilespmem:$0x1FB00]  }
0x179: {  	v7 =	vmul.f32 v63, v25;
	v5 =	vadd.f32 v8, v5;
	v36 =	vld [tilespmem:$0x1FCA0]  }
0x17a: {  	v6 =	vadd.f32 v59, v6;
	v59 =	vld [tilespmem:$0x1FB10]  }
0x17b: {  	v40 =	vld [tilespmem:$0x1FF60];
	v3 =	vadd.f32 v7, v3;
	v5 =	vmul.f32 v12, v5  }
0x17c: {  	v23 =	vld [tilespmem:$0x1FF70];
	v7 =	vmul.f32 v1, v17;
	v18 =	vmul.f32 v62, v44  }
0x17d: {  	v38 =	vld [tilespmem:$0x1FEB0];
	v3 =	vmul.f32 v11, v3;
	v20 =	vmul.f32 v0, v46  }
0x17e: {  	[tilespmem:$0x1F7A0] =	vst v21;
	v45 =	vld [tilespmem:$0x1FDB0];
	v22 =	vmul.f32 v9, v36;
	v21 =	vadd.f32 v18, v7  }
0x17f: {  	v13 =	vadd.f32 v5, v3;
	v3 =	vld [tilespmem:s14+$0xFFFFF420];
	v24 =	vmul.f32 v63, v59;
	v6 =	vadd.f32 v20, v6  }
0x180: {  	v14 =	vadd.f32 v22, v21;
	v22 =	vld [tilespmem:$0x1FEC0]  }
0x181: {  	v6 =	vadd.f32 v24, v6;
	v24 =	vld [tilespmem:$0x1FDA0]  }
0x182: {  	v25 =	vmul.f32 v2, v35;
	v19 =	vmul.f32 v0, v40  }
0x183: {  	v27 =	vmul.f32 v62, v38;
	v26 =	vmul.f32 v1, v45  }
0x184: {  	v4 =	vadd.f32 v19, v4;
	v20 =	vmul.f32 v0, v51;
	v28 =	vadd.f32 v25, v14  }
0x185: {  	v5 =	vld [tilespmem:s14+$0xFFFFF820];
	v7 =	vmul.f32 v63, v23;
	v21 =	vadd.f32 v27, v26;
	v23 =	vmul.f32 v9, v22  }
0x186: {  	v8 =	vadd.f32 v20, v28;
	v28 =	vshrl.u32 v3, $0x10;
	v25 =	vmul.f32 v63, v24;
	v24 =	vld [tilespmem:$0x1FF80]  }
0x187: {  	v16 =	vadd.f32 v23, v21;
	v21 =	vand.u32 $0x1, v28;
	v28 =	vld [tilespmem:$0x1F820]  }
0x188: {  	v4 =	vadd.f32 v7, v4;
	v7 =	vld [tilespmem:s14+$0xFFFFFC20]  }
0x189: {  	v26 =	vld [tilespmem:$0x1FED0];
	v17 =	vadd.f32 v25, v8;
	v8 =	vadd.s32 v21, v3  }
0x18a: {  	v15 =	vmul.f32 v11, v6;
	v6 =	vld [tilespmem:s14+$0x20];
	v8 =	vadd.s32 $0x7FFF, v8  }
0x18b: {  	v20 =	vand.u32 $0xFFFF0000, v8;
	v8 =	vld [tilespmem:s14+$0x820]  }
0x18c: {  	v22 =	vshrl.u32 v5, $0x10;
	v19 =	vmul.f32 v0, v24;
	v24 =	vmul.f32 v20, v28;
	v28 =	vld [tilespmem:$0x1F830]  }
0x18d: {  	v23 =	vand.u32 $0x1, v22  }
0x18e: {  	v18 =	vadd.s32 v23, v5  }
0x18f: {  	v14 =	vmul.f32 v10, v4;
	v27 =	vmul.f32 v2, v26;
	v18 =	vadd.s32 $0x7FFF, v18  }
0x190: {  	v25 =	vshrl.u32 v7, $0x10;
	v26 =	vshrl.u32 v6, $0x10;
	v18 =	vand.u32 $0xFFFF0000, v18  }
0x191: {  	v4 =	vld [tilespmem:s14+$0x420];
	v21 =	vand.u32 $0x1, v25;
	v25 =	vmul.f32 v18, v28;
	v28 =	vshrl.u32 v8, $0x10  }
0x192: {  	v22 =	vand.u32 $0x1, v26;
	v26 =	vand.u32 $0x1, v28;
	v28 =	vld [tilespmem:$0x1F840];
	_ =	sdelay $0x1  }
0x193: {  	v21 =	vadd.s32 v21, v7  }
0x194: {  	v21 =	vadd.s32 $0x7FFF, v21  }
0x195: {  	v16 =	vadd.f32 v27, v16;
	v21 =	vand.u32 $0xFFFF0000, v21  }
0x196: {  	v27 =	vshrl.u32 v4, $0x10;
	v24 =	vadd.f32 v25, v24;
	v25 =	vmul.f32 v21, v28  }
0x197: {  	v23 =	vand.u32 $0x1, v27;
	v27 =	vld [tilespmem:$0x1F880]  }
0x198: {  	v24 =	vadd.f32 v25, v24;
	v25 =	vld [tilespmem:$0x1F8E0];
	_ =	sdelay $0x2  }
0x199: {  	v28 =	vld [tilespmem:$0x1F890];
	_ =	sdelay $0x1  }
0x19a: {  	v27 =	vmul.f32 v20, v27;
	v20 =	vmul.f32 v20, v25;
	v25 =	vld [tilespmem:$0x1F8F0];
	_ =	sdelay $0x2  }
0x19b: {  	v28 =	vmul.f32 v18, v28;
	_ =	sdelay $0x1  }
0x19c: {  	v27 =	vadd.f32 v28, v27;
	v28 =	vld [tilespmem:$0x1F8A0];
	v18 =	vmul.f32 v18, v25  }
0x19d: {  	v25 =	vld [tilespmem:$0x1F850]  }
0x19e: {  	v18 =	vadd.f32 v18, v20;
	v20 =	vld [tilespmem:$0x1F900]  }
0x19f: {  	v22 =	vadd.s32 v22, v6  }
0x1a0: {  	v22 =	vadd.s32 $0x7FFF, v22  }
0x1a1: {  	v23 =	vadd.s32 v23, v4;
	v22 =	vand.u32 $0xFFFF0000, v22  }
0x1a2: {  	v23 =	vadd.s32 $0x7FFF, v23;
	v28 =	vmul.f32 v21, v28;
	v25 =	vmul.f32 v22, v25  }
0x1a3: {  	v23 =	vand.u32 $0xFFFF0000, v23;
	v20 =	vmul.f32 v21, v20  }
0x1a4: {  	v21 =	vadd.f32 v25, v24;
	v24 =	vadd.f32 v28, v27;
	v27 =	vmul.f32 v23, v30;
	v30 =	vld [tilespmem:$0x1F910];
	_ =	sdelay $0x2  }
0x1a5: {  	v28 =	vld [tilespmem:$0x1F8B0];
	_ =	sdelay $0x1  }
0x1a6: {  	v18 =	vadd.f32 v20, v18;
	v20 =	vmul.f32 v22, v30;
	v30 =	vld [tilespmem:$0x1F870];
	_ =	sdelay $0x1  }
0x1a7: {  	v26 =	vadd.s32 v26, v8  }
0x1a8: {  	v26 =	vadd.s32 $0x7FFF, v26;
	v25 =	vmul.f32 v22, v28;
	v28 =	vmul.f32 v23, v31;
	v31 =	vld [tilespmem:$0x1F8D0]  }
0x1a9: {  	v22 =	vand.u32 $0xFFFF0000, v26  }
0x1aa: {  	v29 =	vmul.f32 v23, v29;
	v24 =	vadd.f32 v25, v24;
	v23 =	vmul.f32 v22, v30;
	v30 =	vld [tilespmem:$0x1FB40];
	_ =	sdelay $0x1  }
0x1ab: {  	v18 =	vadd.f32 v20, v18;
	v24 =	vadd.f32 v28, v24;
	v28 =	vld [tilespmem:$0x1F930]  }
0x1ac: {  	v21 =	vadd.f32 v27, v21;
	v25 =	vmul.f32 v22, v31;
	v31 =	vld [tilespmem:$0x1FB50]  }
0x1ad: {  	v18 =	vadd.f32 v29, v18;
	v29 =	vld [tilespmem:$0x1FF90]  }
0x1ae: {  	v21 =	vadd.f32 v23, v21;
	v23 =	vmul.f32 v1, v30;
	v30 =	vld [tilespmem:$0x1FB60];
	_ =	sdelay $0x1  }
0x1af: {  	v16 =	vadd.f32 v19, v16;
	v19 =	vmul.f32 v22, v28  }
0x1b0: {  	v22 =	vadd.f32 v25, v24;
	v24 =	vmul.f32 v62, v31  }
0x1b1: {  	v20 =	vmul.f32 v63, v29;
	v31 =	vld [tilespmem:$0x1FBA0];
	v18 =	vadd.f32 v19, v18  }
0x1b2: {  	v28 =	vmax.f32 v21, v22;
	v29 =	vadd.f32 v24, v23;
	v23 =	vmul.f32 v9, v30  }
0x1b3: {  	v19 =	vmax.f32 v28, v18;
	v28 =	vld [tilespmem:$0x1FCC0]  }
0x1b4: {  	v16 =	vadd.f32 v20, v16;
	v20 =	vadd.f32 v23, v29;
	v29 =	vld [tilespmem:$0x1FB70];
	_ =	sdelay $0x1  }
0x1b5: {  	v24 =	vmul.f32 v1, v31;
	v31 =	vld [tilespmem:$0x1FCE0];
	_ =	sdelay $0x1  }
0x1b6: {  	v30 =	vld [tilespmem:$0x1FCD0]  }
0x1b7: {  	v25 =	vmul.f32 v62, v28;
	v28 =	vld [tilespmem:$0x1FB80];
	v23 =	vmul.f32 v2, v29  }
0x1b8: {  	v26 =	vsub.f32 v21, v19;
	v29 =	vld [tilespmem:$0x1FDE0]  }
0x1b9: {  	v20 =	vadd.f32 v23, v20;
	v23 =	vmul.f32 v2, v31;
	v31 =	vld [tilespmem:$0x1FB90]  }
0x1ba: {  	v27 =	vsub.f32 v22, v19;
	v24 =	vadd.f32 v25, v24;
	v25 =	vmul.f32 $1.442695020e+00, v26  }
0x1bb: {  	v26 =	vmul.f32 v9, v30;
	v30 =	vld [tilespmem:$0x1FEE0]  }
0x1bc: {  	v27 =	vmul.f32 $1.442695020e+00, v27;
	(erf) = vpow2.f32 v25  }
0x1bd: {  	v28 =	vmul.f32 v0, v28;
	v25 =	vmul.f32 v1, v29;
	v29 =	vld [tilespmem:$0x1FEF0]  }
0x1be: {  	(erf) = vpow2.f32 v27;
	v27 =	vmul.f32 v63, v31;
	v31 =	vld [tilespmem:$0x1FBC0];
	_ =	sdelay $0x1  }
0x1bf: {  	v24 =	vadd.f32 v26, v24;
	v26 =	vmul.f32 v62, v30;
	v20 =	vadd.f32 v28, v20;
	v28 =	vld [tilespmem:$0x1FDC0]  }
0x1c0: {  	v19 =	vsub.f32 v18, v19;
	v30 =	vld [tilespmem:$0x1FBB0]  }
0x1c1: {  	v23 =	vadd.f32 v23, v24;
	v24 =	vadd.f32 v26, v25;
	v25 =	vmul.f32 v9, v29;
	v29 =	vld [tilespmem:$0x1FDD0]  }
0x1c2: {  	v19 =	vmul.f32 $1.442695020e+00, v19;
	v20 =	vadd.f32 v27, v20;
	v27 =	vmul.f32 v62, v31;
	v31 =	vld [tilespmem:$0x1FBD0];
	_ =	sdelay $0x1  }
0x1c3: {  	(erf) = vpow2.f32 v19;
	v19 =	vmul.f32 v0, v28  }
0x1c4: {  	v26 =	vmul.f32 v1, v30  }
0x1c5: {  	v19 =	vadd.f32 v19, v23;
	v23 =	vmul.f32 v63, v29;
	v29 =	vld [tilespmem:$0x1FC10]  }
0x1c6: {  	v26 =	vadd.f32 v27, v26;
	v27 =	vmul.f32 v9, v31;
	v31 =	vld [tilespmem:$0x1FE10]  }
0x1c7: {  	v28 =	vld [tilespmem:$0x1FCF0];
	_ =	sdelay $0x3  }
0x1c8: {  	v19 =	vadd.f32 v23, v19;
	v23 =	vmul.f32 v1, v29;
	v1 =	vmul.f32 v1, v31;
	v31 =	vld [tilespmem:$0x1FF00]  }
0x1c9: {  	v28 =	vmul.f32 v62, v28;
	_ =	sdelay $0x1  }
0x1ca: {  	v23 =	vadd.f32 v28, v23;
	v28 =	vld [tilespmem:$0x1FD00];
	_ =	sdelay $0x1  }
0x1cb: {  	v62 =	vmul.f32 v62, v31;
	_ =	sdelay $0x1  }
0x1cc: {  	v1 =	vadd.f32 v62, v1;
	v62 =	vld [tilespmem:$0x1FF10]  }
0x1cd: {  	v30 =	vld [tilespmem:$0x1FFA0];
	v28 =	vmul.f32 v9, v28  }
0x1ce: {  	v29 =	vld [tilespmem:$0x1FBE0]  }
0x1cf: {  	v23 =	vadd.f32 v28, v23;
	v28 =	vld [tilespmem:$0x1FD10];
	_ =	sdelay $0x1  }
0x1d0: {  	v9 =	vmul.f32 v9, v62;
	v62 =	vld [tilespmem:$0x1FBF0];
	_ =	sdelay $0x1  }
0x1d1: {  	v24 =	vadd.f32 v25, v24;
	v25 =	vmul.f32 v2, v30;
	v1 =	vadd.f32 v9, v1;
	v9 =	vld [tilespmem:$0x1FFD0]  }
0x1d2: {  	v30 =	vld [tilespmem:$0x1FFB0];
	v26 =	vadd.f32 v27, v26;
	v29 =	vmul.f32 v2, v29;
	v28 =	vmul.f32 v2, v28;
	_ =	sdelay $0x1  }
0x1d3: {  	v26 =	vadd.f32 v29, v26;
	v23 =	vadd.f32 v28, v23;
	v28 =	vld [tilespmem:$0x1FDF0];
	v62 =	vmul.f32 v0, v62;
	_ =	sdelay $0x1  }
0x1d4: {  	v27 =	vpop (erf);
	v2 =	vmul.f32 v2, v9;
	v9 =	vadd.f32 v62, v26;
	v62 =	vld [tilespmem:$0x1FE00]  }
0x1d5: {  	v24 =	vadd.f32 v25, v24;
	v25 =	vmul.f32 v0, v30;
	v30 =	vpop (erf)  }
0x1d6: {  	v31 =	vadd.f32 v30, v27  }
0x1d7: {  	v29 =	vpop (erf);
	v28 =	vmul.f32 v0, v28  }
0x1d8: {  	v31 =	vadd.f32 v31, v29  }
0x1d9: {  	v23 =	vadd.f32 v28, v23;
	v28 =	vmul.f32 v63, v62;
	v62 =	vld [tilespmem:$0x1FFE0]  }
0x1da: {  	(erf) = vrcp.f32 v31;
	v31 =	vld [tilespmem:$0x1FC00];
	_ =	sdelay $0x2  }
0x1db: {  	v17 =	vmul.f32 v12, v17;
	v23 =	vadd.f32 v28, v23;
	v28 =	vld [tilespmem:$0x1FFF0]  }
0x1dc: {  	vm15 =	vlt.f32 v21, v22;
	vm5 =	vle.f32 v22, v21;
	v0 =	vmul.f32 v0, v62;
	v62 =	vld [tilespmem:$0x1FFC0]  }
0x1dd: {  	vm4 =	vlt.f32 v21, v18;
	vm6 =	vlt.f32 v22, v18;
	v26 =	vmul.f32 v63, v31  }
0x1de: {  	vm7 =	vle.f32 v18, v21;
	vm8 =	vle.f32 v18, v22;
	v1 =	vadd.f32 v2, v1  }
0x1df: {  	vm0 =	vmand vm15, vm4;
	v20 =	vmul.f32 v11, v20;
	v9 =	vadd.f32 v26, v9  }
0x1e0: {  	v19 =	vmul.f32 v12, v19;
	v0 =	vadd.f32 v0, v1;
	v1 =	vmul.f32 v63, v28  }
0x1e1: {  	v31 =	vadd.f32 v25, v24;
	v9 =	vmul.f32 v11, v9;
	v24 =	vmul.f32 v63, v62  }
0x1e2: {  	v0 =	vadd.f32 v1, v0;
	v62 =	vadd.f32 v17, v15;
	v63 =	vmul.f32 v10, v16  }
0x1e3: {  	v21 =	vld [tilespmem:$0x1F990];
	v26 =	vpop (erf);
	v2 =	vadd.f32 v24, v31;
	v31 =	vmul.f32 v12, v23;
	v24 =	vadd.f32 v13, v14  }
0x1e4: {  	v23 =	vadd.f32 v19, v20;
	v25 =	vadd.f32 v62, v63;
	v62 =	vmul.f32 v26, v27;
	v20 =	vld [tilespmem:$0x1F940]  }
0x1e5: {  	v27 =	vld [tilespmem:$0x1F9A0];
	v2 =	vmul.f32 v10, v2;
	v9 =	vadd.f32 v31, v9;
	v10 =	vmul.f32 v10, v0;
	[tilespmem:$0x1F7B0] =	vst v24  }
0x1e6: {  	vm1 =	vmand vm5, vm6;
	v63 =	vmul.f32 v26, v30;
	[tilespmem:$0x1F7C0] =	vst v25;
	v24 =	vmul.f32 v5, v47;
	v25 =	vld [tilespmem:$0x1F960]  }
0x1e7: {  	v17 =	vsel vm0, $0x0, v62;
	v31 =	vadd.f32 v9, v10;
	v10 =	vmul.f32 v26, v29;
	v29 =	vld [tilespmem:$0x1F9B0]  }
0x1e8: {  	v18 =	vsel vm1, $0x0, v63;
	v62 =	vmul.f32 v3, v56;
	v63 =	vmul.f32 v5, v39;
	v39 =	vld [tilespmem:$0x1F9E0]  }
0x1e9: {  	v56 =	vmul.f32 v5, v55;
	v55 =	vld [tilespmem:$0x1FA60];
	v28 =	vadd.f32 v23, v2;
	v23 =	vmul.f32 v3, v20  }
0x1ea: {  	v33 =	vmul.f32 v3, v33;
	v20 =	vmul.f32 v7, v58;
	v58 =	vld [tilespmem:$0x1FA00]  }
0x1eb: {  	v16 =	vmul.f32 v6, v41;
	v11 =	vadd.f32 v24, v23;
	v26 =	vmul.f32 v7, v25;
	v23 =	vld [tilespmem:$0x1FC40]  }
0x1ec: {  	[tilespmem:$0x1F7D0] =	vst v28;
	v28 =	vmul.f32 v3, v27;
	v25 =	vld [tilespmem:$0x1FD20];
	v30 =	vmul.f32 v5, v29  }
0x1ed: {  	v47 =	vmul.f32 v6, v52;
	[tilespmem:$0x1F7E0] =	vst v31;
	v41 =	vmul.f32 v7, v39;
	v39 =	vld [tilespmem:$0x1FE70];
	v31 =	vadd.f32 v26, v11  }
0x1ee: {  	v42 =	vmul.f32 v8, v42;
	v37 =	vmul.f32 v8, v37;
	v2 =	vadd.f32 v30, v28;
	v28 =	vld [tilespmem:$0x1F9C0]  }
0x1ef: {  	v52 =	vmul.f32 v4, v54;
	v11 =	vadd.f32 v63, v62;
	v9 =	vadd.f32 v47, v31;
	v30 =	vld [tilespmem:$0x1F9D0]  }
0x1f0: {  	vm2 =	vmand vm7, vm8;
	v22 =	vmul.f32 v8, v21;
	v54 =	vmul.f32 v7, v32;
	v47 =	vld [tilespmem:$0x1F9F0]  }
0x1f1: {  	v27 =	vmul.f32 v6, v57;
	v11 =	vadd.f32 v20, v11;
	v20 =	vld [tilespmem:$0x1FD50];
	v9 =	vadd.f32 v52, v9  }
0x1f2: {  	v32 =	vmul.f32 v4, v50;
	v19 =	vsel vm2, $0x0, v10;
	v2 =	vadd.f32 v54, v2;
	v52 =	vld [tilespmem:$0x1FA20]  }
0x1f3: {  	v63 =	vmul.f32 v7, v43;
	v11 =	vadd.f32 v27, v11;
	v9 =	vadd.f32 v22, v9;
	v22 =	vld [tilespmem:$0x1FE50]  }
0x1f4: {  	v24 =	vmul.f32 v4, v23;
	v2 =	vadd.f32 v16, v2;
	v16 =	vld [tilespmem:$0x1FF50];
	v29 =	vmul.f32 v3, v28  }
0x1f5: {  	v11 =	vadd.f32 v32, v11;
	v31 =	vmul.f32 v5, v30;
	v50 =	vmul.f32 v6, v47;
	v47 =	vld [tilespmem:$0x1FA50]  }
0x1f6: {  	v62 =	vmul.f32 v4, v58;
	v26 =	vmul.f32 v8, v25;
	v2 =	vadd.f32 v24, v2;
	v24 =	vld [tilespmem:$0x1FA10]  }
0x1f7: {  	v21 =	vmul.f32 v3, v20;
	v11 =	vadd.f32 v42, v11;
	v42 =	vld [tilespmem:$0x1FA40];
	v10 =	vadd.f32 v31, v29  }
0x1f8: {  	v9 =	vmul.f32 v17, v9;
	v54 =	vmul.f32 v3, v52;
	v29 =	vld [tilespmem:$0x1FE60];
	v2 =	vadd.f32 v26, v2  }
0x1f9: {  	v31 =	vld [tilespmem:$0x1FC70];
	v11 =	vmul.f32 v19, v11;
	v10 =	vadd.f32 v41, v10;
	v23 =	vmul.f32 v5, v22  }
0x1fa: {  	v52 =	vld [tilespmem:$0x1FF40];
	v12 =	vadd.f32 v56, v54;
	v41 =	vmul.f32 v6, v39;
	v56 =	vmul.f32 v7, v55  }
0x1fb: {  	v26 =	vld [tilespmem:$0x1FC60];
	v20 =	vmul.f32 v8, v16;
	v2 =	vmul.f32 v18, v2  }
0x1fc: {  	v55 =	vld [tilespmem:$0x1FB20];
	v57 =	vadd.f32 v50, v10;
	v25 =	vmul.f32 v8, v24;
	v43 =	vmul.f32 v3, v42  }
0x1fd: {  	v10 =	vadd.f32 v23, v21;
	v50 =	vmul.f32 v5, v47;
	v21 =	vld [tilespmem:$0x1FA70];
	v47 =	vmul.f32 v7, v34  }
0x1fe: {  	v12 =	vadd.f32 v63, v12;
	v23 =	vld [tilespmem:$0x1FC80];
	v30 =	vmul.f32 v7, v29;
	v32 =	vmul.f32 v4, v31  }
0x1ff: {  	v2 =	vadd.f32 v2, v9;
	v54 =	vmul.f32 v4, v52;
	v29 =	vld [tilespmem:$0x1FC90];
	v31 =	vmul.f32 v3, v53  }
0x200: {  	v52 =	vld [tilespmem:$0x1FD70];
	v9 =	vadd.f32 v62, v57;
	v27 =	vmul.f32 v6, v26;
	v13 =	vadd.f32 v50, v43  }
0x201: {  	v34 =	vld [tilespmem:$0x1FDA0];
	v43 =	vmul.f32 v7, v61;
	v50 =	vmul.f32 v6, v48;
	v10 =	vadd.f32 v30, v10  }
0x202: {  	v57 =	vld [tilespmem:$0x1FAA0];
	v9 =	vadd.f32 v25, v9;
	v13 =	vadd.f32 v56, v13;
	v56 =	vmul.f32 v3, v55  }
0x203: {  	v62 =	vld [tilespmem:$0x1FAB0];
	v12 =	vadd.f32 v27, v12;
	v22 =	vmul.f32 v6, v21;
	v24 =	vmul.f32 v7, v23  }
0x204: {  	v10 =	vadd.f32 v41, v10;
	v9 =	vmul.f32 v17, v9;
	v30 =	vmul.f32 v6, v29  }
0x205: {  	v25 =	vld [tilespmem:$0x1FA80];
	v12 =	vadd.f32 v32, v12;
	v32 =	vmul.f32 v5, v60;
	v53 =	vmul.f32 v8, v52  }
0x206: {  	v28 =	vadd.f32 v2, v11;
	v27 =	vld [tilespmem:$0x1FA90];
	v60 =	vmul.f32 v4, v46;
	v29 =	vmul.f32 v6, v35  }
0x207: {  	v35 =	vmul.f32 v8, v34;
	v10 =	vadd.f32 v54, v10;
	v58 =	vmul.f32 v3, v57  }
0x208: {  	v41 =	vld [tilespmem:$0x1FD60];
	v63 =	vmul.f32 v5, v62;
	v13 =	vadd.f32 v22, v13;
	v54 =	vmul.f32 v6, v49  }
0x209: {  	v52 =	vld [tilespmem:$0x1F840];
	v57 =	vmul.f32 v5, v44;
	v62 =	vmul.f32 v7, v36;
	v12 =	vadd.f32 v37, v12  }
0x20a: {  	v37 =	vld [tilespmem:$0x1FAD0];
	v14 =	vadd.f32 v32, v31;
	v32 =	vmul.f32 v4, v51;
	v11 =	vadd.f32 v63, v58  }
0x20b: {  	[tilespmem:$0x1F7F0] =	vst v28;
	v10 =	vadd.f32 v20, v10;
	v26 =	vmul.f32 v4, v25;
	v28 =	vmul.f32 v8, v27;
	v63 =	vld [tilespmem:$0x1FF70]  }
0x20c: {  	v49 =	vld [tilespmem:$0x1F830];
	v58 =	vmul.f32 v4, v40;
	v61 =	vadd.f32 v57, v56;
	v14 =	vadd.f32 v43, v14  }
0x20d: {  	v56 =	vld [tilespmem:$0x1F890];
	v12 =	vmul.f32 v18, v12;
	v11 =	vadd.f32 v24, v11;
	v13 =	vadd.f32 v26, v13  }
0x20e: {  	v42 =	vmul.f32 v4, v41;
	v20 =	vadd.f32 v62, v61;
	v62 =	vld [tilespmem:$0x1F8A0];
	v14 =	vadd.f32 v50, v14  }
0x20f: {  	v22 =	vadd.f32 v12, v9;
	v12 =	vld [tilespmem:s14+$0x30];
	v11 =	vadd.f32 v30, v11;
	v39 =	vmul.f32 v5, v37  }
0x210: {  	v9 =	vld [tilespmem:s14+$0x430];
	v13 =	vadd.f32 v28, v13;
	v14 =	vadd.f32 v58, v14;
	v2 =	vmul.f32 v8, v63  }
0x211: {  	v28 =	vmul.f32 v8, v59;
	v59 =	vld [tilespmem:$0x1F8F0];
	v15 =	vadd.f32 v39, v33;
	v11 =	vadd.f32 v42, v11  }
0x212: {  	v31 =	vadd.f32 v29, v20;
	v30 =	vmul.f32 v17, v13;
	v13 =	vld [tilespmem:s14+$0xFFFFF830];
	v14 =	vadd.f32 v2, v14  }
0x213: {  	v36 =	vmul.f32 v3, v45;
	v15 =	vadd.f32 v47, v15;
	v21 =	vadd.f32 v53, v11;
	v11 =	vld [tilespmem:s14+$0xFFFFF430]  }
0x214: {  	v23 =	vmul.f32 v19, v10;
	v58 =	vld [tilespmem:$0x1F8E0];
	v33 =	vadd.f32 v32, v31;
	v39 =	vmul.f32 v5, v38  }
0x215: {  	v46 =	vshrl.u32 v9, $0x10;
	v24 =	vmul.f32 v19, v14;
	v14 =	vld [tilespmem:s14+$0xFFFFFC30];
	v15 =	vadd.f32 v54, v15  }
0x216: {  	v16 =	vadd.f32 v39, v36;
	v45 =	vshrl.u32 v12, $0x10;
	v47 =	vld [tilespmem:$0x1F820];
	v29 =	vand.u32 $0x1, v46  }
0x217: {  	v39 =	vld [tilespmem:$0x1F8B0];
	v21 =	vmul.f32 v18, v21;
	v29 =	vadd.s32 v29, v9;
	v15 =	vadd.f32 v60, v15  }
0x218: {  	v46 =	vld [tilespmem:$0x1F8C0];
	v40 =	vshrl.u32 v13, $0x10;
	v29 =	vadd.s32 $0x7FFF, v29;
	v37 =	vshrl.u32 v11, $0x10  }
0x219: {  	v54 =	vld [tilespmem:$0x1F880];
	v21 =	vadd.f32 v21, v30;
	v15 =	vadd.f32 v28, v15;
	v20 =	vand.u32 $0x1, v37  }
0x21a: {  	v42 =	vand.u32 $0x1, v40;
	v60 =	vld [tilespmem:$0x1F850];
	v44 =	vshrl.u32 v14, $0x10;
	v41 =	vadd.s32 v20, v11  }
0x21b: {  	v25 =	vmul.f32 v17, v15;
	v15 =	vadd.f32 v35, v33;
	v10 =	vadd.s32 $0x7FFF, v41;
	v35 =	vld [tilespmem:$0x1F900]  }
0x21c: {  	v28 =	vand.u32 $0x1, v45;
	v20 =	vadd.s32 v42, v13;
	v41 =	vld [tilespmem:$0x1F860];
	v43 =	vand.u32 $0xFFFF0000, v10  }
0x21d: {  	v27 =	vand.u32 $0x1, v44;
	v28 =	vadd.s32 v28, v12;
	v10 =	vld [tilespmem:s14+$0x830];
	v48 =	vmul.f32 v43, v47  }
0x21e: {  	v20 =	vadd.s32 $0x7FFF, v20;
	v55 =	vmul.f32 v43, v54;
	v26 =	vmul.f32 v43, v58;
	v43 =	vld [tilespmem:$0x1F910]  }
0x21f: {  	v27 =	vadd.s32 v27, v14;
	v28 =	vadd.s32 $0x7FFF, v28;
	v20 =	vand.u32 $0xFFFF0000, v20;
	v54 =	vld [tilespmem:$0x1FEC0]  }
0x220: {  	v27 =	vadd.s32 $0x7FFF, v27;
	v28 =	vand.u32 $0xFFFF0000, v28;
	v57 =	vmul.f32 v20, v56;
	v56 =	vld [tilespmem:$0x1F930]  }
0x221: {  	v27 =	vand.u32 $0xFFFF0000, v27;
	v50 =	vmul.f32 v20, v49;
	v61 =	vmul.f32 v28, v60;
	v60 =	vld [tilespmem:$0x1FED0]  }
0x222: {  	v29 =	vand.u32 $0xFFFF0000, v29;
	v20 =	vmul.f32 v20, v59;
	v53 =	vmul.f32 v27, v52;
	v52 =	vld [tilespmem:$0x1F8D0]  }
0x223: {  	v63 =	vmul.f32 v27, v62;
	v62 =	vadd.f32 v22, v23;
	v30 =	vadd.f32 v50, v48;
	v48 =	vld [tilespmem:$0x1F920]  }
0x224: {  	v40 =	vmul.f32 v28, v39;
	v47 =	vmul.f32 v29, v46;
	v33 =	vadd.f32 v57, v55;
	v50 =	vld [tilespmem:$0x1F870]  }
0x225: {  	v58 =	vmul.f32 v18, v15;
	v20 =	vadd.f32 v20, v26;
	v36 =	vmul.f32 v27, v35;
	[tilespmem:$0x1F800] =	vst v62;
	v62 =	vld [tilespmem:$0x1FDE0]  }
0x226: {  	v38 =	vadd.f32 v63, v33;
	v63 =	vadd.f32 v21, v24;
	v44 =	vmul.f32 v28, v43;
	v43 =	vld [tilespmem:$0x1FB40]  }
0x227: {  	v51 =	vshrl.u32 v10, $0x10;
	v30 =	vadd.f32 v53, v30;
	v55 =	vmul.f32 v7, v54;
	v54 =	vld [tilespmem:$0x1FF90]  }
0x228: {  	v42 =	vmul.f32 v29, v41;
	v32 =	vand.u32 $0x1, v51;
	v20 =	vadd.f32 v36, v20;
	[tilespmem:$0x1F810] =	vst v63;
	v63 =	vld [tilespmem:$0x1FEE0]  }
0x229: {  	v32 =	vadd.s32 v32, v10;
	v37 =	vadd.f32 v61, v30;
	v49 =	vmul.f32 v29, v48;
	v48 =	vld [tilespmem:$0x1FCC0]  }
0x22a: {  	v30 =	vadd.f32 v40, v38;
	v61 =	vmul.f32 v6, v60;
	v20 =	vadd.f32 v44, v20;
	v44 =	vld [tilespmem:$0x1FCE0]  }
0x22b: {  	v32 =	vadd.s32 $0x7FFF, v32;
	v59 =	vadd.f32 v55, v16;
	v27 =	vadd.f32 v42, v37;
	v42 =	vld [tilespmem:$0x1FB50]  }
0x22c: {  	v22 =	vadd.f32 v58, v25;
	v45 =	vand.u32 $0xFFFF0000, v32;
	v30 =	vadd.f32 v47, v30;
	v47 =	vld [tilespmem:$0x1FB60]  }
0x22d: {  	v51 =	vmul.f32 v45, v50;
	v53 =	vmul.f32 v45, v52;
	v16 =	vadd.f32 v61, v59;
	v61 =	vld [tilespmem:$0x1FF80]  }
0x22e: {  	v58 =	vmul.f32 v3, v62;
	v20 =	vadd.f32 v49, v20;
	v57 =	vmul.f32 v45, v56;
	v52 =	vld [tilespmem:$0x1FBA0]  }
0x22f: {  	v45 =	vld [tilespmem:$0x1FCD0];
	v35 =	vmul.f32 v3, v43;
	v27 =	vadd.f32 v51, v27;
	v29 =	vadd.f32 v53, v30  }
0x230: {  	v50 =	vmul.f32 v8, v54;
	v20 =	vadd.f32 v57, v20;
	v59 =	vmul.f32 v5, v63  }
0x231: {  	v53 =	vld [tilespmem:$0x1FB70];
	v49 =	vmul.f32 v5, v48;
	v57 =	vmul.f32 v6, v44;
	v15 =	vmax.f32 v27, v29  }
0x232: {  	v36 =	vmul.f32 v5, v42;
	v39 =	vmul.f32 v7, v47;
	v21 =	vmax.f32 v15, v20  }
0x233: {  	v38 =	vmul.f32 v4, v61;
	v46 =	vmul.f32 v3, v52;
	v37 =	vsub.f32 v27, v21  }
0x234: {  	v1 =	vld [tilespmem:$0x1FBB0];
	v51 =	vmul.f32 v7, v45;
	v40 =	vsub.f32 v29, v21;
	v24 =	vadd.f32 v36, v35  }
0x235: {  	v21 =	vsub.f32 v20, v21;
	v28 =	vadd.f32 v49, v46;
	v46 =	vld [tilespmem:$0x1FDC0];
	v26 =	vmul.f32 $1.442695020e+00, v37  }
0x236: {  	v2 =	vld [tilespmem:$0x1FBC0];
	v25 =	vadd.f32 v59, v58;
	v41 =	vmul.f32 v6, v53;
	v31 =	vmul.f32 $1.442695020e+00, v40  }
0x237: {  	v58 =	vld [tilespmem:$0x1FEF0];
	v24 =	vadd.f32 v39, v24;
	v21 =	vmul.f32 $1.442695020e+00, v21;
	(erf) = vpow2.f32 v26  }
0x238: {  	v23 =	vadd.f32 v38, v16;
	v40 =	vld [tilespmem:$0x1FB80];
	v56 =	vadd.f32 v51, v28;
	(erf) = vpow2.f32 v31  }
0x239: {  	v24 =	vadd.f32 v41, v24;
	v41 =	vld [tilespmem:$0x1FFA0];
	(erf) = vpow2.f32 v21  }
0x23a: {  	v49 =	vld [tilespmem:$0x1FDD0];
	v21 =	vadd.f32 v50, v23;
	v23 =	vadd.f32 v57, v56;
	v15 =	vmul.f32 v4, v46  }
0x23b: {  	v38 =	vmul.f32 v3, v1;
	v37 =	vld [tilespmem:$0x1FB90];
	v39 =	vmul.f32 v5, v2  }
0x23c: {  	v23 =	vadd.f32 v15, v23;
	v15 =	vld [tilespmem:$0x1FBD0]  }
0x23d: {  	v36 =	vmul.f32 v7, v58;
	v26 =	vadd.f32 v39, v38;
	v39 =	vld [tilespmem:$0x1FC10]  }
0x23e: {  	v55 =	vmul.f32 v4, v40;
	v50 =	vmul.f32 v6, v41;
	v41 =	vld [tilespmem:$0x1FCF0]  }
0x23f: {  	v35 =	vld [tilespmem:$0x1FD00]  }
0x240: {  	v25 =	vadd.f32 v36, v25;
	v56 =	vld [tilespmem:$0x1FFB0];
	v60 =	vmul.f32 v8, v37;
	v24 =	vadd.f32 v55, v24  }
0x241: {  	v16 =	vmul.f32 v8, v49;
	v33 =	vpop (erf);
	v51 =	vmul.f32 v7, v15  }
0x242: {  	v59 =	vmul.f32 v3, v39;
	v24 =	vadd.f32 v60, v24;
	v25 =	vadd.f32 v50, v25;
	v50 =	vld [tilespmem:$0x1FF00];
	v30 =	vpop (erf)  }
0x243: {  	v60 =	vmul.f32 v5, v41;
	v55 =	vadd.f32 v30, v33;
	v26 =	vadd.f32 v51, v26;
	v51 =	vld [tilespmem:$0x1FE10]  }
0x244: {  	v36 =	vmul.f32 v7, v35;
	v23 =	vadd.f32 v16, v23;
	v34 =	vpop (erf)  }
0x245: {  	v32 =	vmul.f32 v4, v56;
	v56 =	vld [tilespmem:$0x1FF10];
	v16 =	vadd.f32 v60, v59;
	v28 =	vadd.f32 v55, v34  }
0x246: {  	v38 =	vld [tilespmem:$0x1FBE0]  }
0x247: {  	(erf) = vrcp.f32 v28;
	v28 =	vadd.f32 v36, v16;
	v36 =	vld [tilespmem:$0x1FFC0]  }
0x248: {  	v0 =	vld [tilespmem:$0x1FBF0];
	v5 =	vmul.f32 v5, v50;
	v3 =	vmul.f32 v3, v51  }
0x249: {  	v25 =	vadd.f32 v32, v25;
	v32 =	vld [tilespmem:$0x1FD10]  }
0x24a: {  	v7 =	vmul.f32 v7, v56;
	v3 =	vadd.f32 v5, v3;
	_ =	sdelay $0x1  }
0x24b: {  	v57 =	vmul.f32 v6, v38;
	v3 =	vadd.f32 v7, v3;
	v7 =	vmul.f32 v8, v36;
	v36 =	vld [tilespmem:$0x1FDF0];
	_ =	sdelay $0x1  }
0x24c: {  	v60 =	vmul.f32 v4, v0;
	v26 =	vadd.f32 v57, v26;
	v16 =	vmul.f32 v6, v32;
	_ =	sdelay $0x1  }
0x24d: {  	v5 =	vadd.f32 v60, v26;
	v26 =	vadd.f32 v16, v28;
	v16 =	vld [tilespmem:$0x1FC00]  }
0x24e: {  	v55 =	vmul.f32 v4, v36  }
0x24f: {  	v57 =	vld [tilespmem:$0x1FFD0]  }
0x250: {  	v7 =	vadd.f32 v7, v25;
	v25 =	vadd.f32 v55, v26;
	v55 =	vld [tilespmem:$0x1FE00]  }
0x251: {  	v59 =	vld [tilespmem:$0x1FFE0]  }
0x252: {  	v60 =	vmul.f32 v8, v16;
	_ =	sdelay $0x1  }
0x253: {  	v6 =	vmul.f32 v6, v57;
	v5 =	vadd.f32 v60, v5;
	v60 =	vld [tilespmem:$0x1FFF0]  }
0x254: {  	v28 =	vmul.f32 v8, v55  }
0x255: {  	v21 =	vmul.f32 v19, v21;
	v3 =	vadd.f32 v6, v3;
	v4 =	vmul.f32 v4, v59  }
0x256: {  	v23 =	vmul.f32 v18, v23;
	v26 =	vmul.f32 v17, v24  }
0x257: {  	vm9 =	vlt.f32 v27, v29;
	v3 =	vadd.f32 v4, v3;
	v4 =	vadd.f32 v22, v21;
	v22 =	vld [tilespmem:$0x1F950]  }
0x258: {  	v31 =	vmul.f32 v8, v60;
	v8 =	vadd.f32 v23, v26;
	v26 =	vld [tilespmem:$0x1F9A0];
	v25 =	vadd.f32 v28, v25;
	v28 =	vpop (erf)  }
0x259: {  	vm10 =	vlt.f32 v27, v20;
	v5 =	vmul.f32 v17, v5;
	v17 =	vmul.f32 v28, v34;
	v34 =	vld [tilespmem:$0x1F940]  }
0x25a: {  	v3 =	vadd.f32 v31, v3;
	v31 =	vmul.f32 v28, v33;
	v33 =	vmul.f32 v28, v30;
	v28 =	vld [tilespmem:$0x1F9B0]  }
0x25b: {  	vm11 =	vle.f32 v29, v27;
	v7 =	vmul.f32 v19, v7;
	v23 =	vld [tilespmem:$0x1F960];
	v6 =	vmul.f32 v18, v25  }
0x25c: {  	vm12 =	vlt.f32 v29, v20;
	vm14 =	vle.f32 v20, v27;
	vm0 =	vmand vm9, vm10  }
0x25d: {  	v24 =	vld [tilespmem:$0x1F970];
	v18 =	vmul.f32 v19, v3;
	v3 =	vadd.f32 v8, v7;
	v21 =	vadd.f32 v6, v5  }
0x25e: {  	v6 =	vmul.f32 v13, v22;
	v7 =	vsel vm0, $0x0, v31;
	v31 =	vld [tilespmem:$0x1F980];
	v5 =	vmul.f32 v11, v34  }
0x25f: {  	vm15 =	vle.f32 v20, v29;
	v27 =	vmul.f32 v11, v26;
	v29 =	vmul.f32 v13, v28;
	v28 =	vld [tilespmem:$0x1FC30]  }
0x260: {  	v5 =	vadd.f32 v6, v5;
	v6 =	vmul.f32 v14, v23;
	v23 =	vld [tilespmem:$0x1FC20]  }
0x261: {  	v34 =	vadd.f32 v29, v27;
	v29 =	vld [tilespmem:$0x1FC40]  }
0x262: {  	vm13 =	vmand vm11, vm12;
	v25 =	vmul.f32 v12, v24;
	v26 =	vld [tilespmem:$0x1FE20]  }
0x263: {  	v5 =	vadd.f32 v6, v5;
	v6 =	vsel vm13, $0x0, v33;
	v33 =	vmul.f32 v9, v31;
	v31 =	vld [tilespmem:$0x1F9C0]  }
0x264: {  	v20 =	vmul.f32 v12, v28;
	v28 =	vld [tilespmem:$0x1F9E0]  }
0x265: {  	v30 =	vadd.f32 v25, v5;
	v25 =	vld [tilespmem:$0x1FD30]  }
0x266: {  	v24 =	vmul.f32 v14, v23;
	v22 =	vmul.f32 v9, v29;
	v29 =	vld [tilespmem:$0x1FD20]  }
0x267: {  	v8 =	vadd.f32 v33, v30;
	v30 =	vld [tilespmem:$0x1FE30]  }
0x268: {  	vm2 =	vmand vm14, vm15;
	v33 =	vld [tilespmem:$0x1F9D0];
	v27 =	vadd.f32 v24, v34  }
0x269: {  	v5 =	vsel vm2, $0x0, v17;
	v34 =	vld [tilespmem:$0x1F990]  }
0x26a: {  	v23 =	vmul.f32 v13, v26;
	v17 =	vmul.f32 v11, v25;
	v19 =	vadd.f32 v20, v27;
	v27 =	vld [tilespmem:$0x1FE40]  }
0x26b: {  	v20 =	vmul.f32 v11, v31;
	v31 =	vld [tilespmem:$0x1F9F0]  }
0x26c: {  	v17 =	vadd.f32 v23, v17;
	v23 =	vmul.f32 v14, v30;
	v30 =	vld [tilespmem:$0x1FF20]  }
0x26d: {  	v24 =	vmul.f32 v13, v33;
	v33 =	vld [tilespmem:$0x1FF30]  }
0x26e: {  	v19 =	vadd.f32 v22, v19;
	v22 =	vmul.f32 v14, v28;
	v28 =	vld [tilespmem:$0x1FA10]  }
0x26f: {  	v20 =	vadd.f32 v24, v20;
	v24 =	vmul.f32 v10, v29;
	v29 =	vld [tilespmem:$0x1FA20]  }
0x270: {  	v17 =	vadd.f32 v23, v17;
	v23 =	vmul.f32 v12, v27;
	v27 =	vld [tilespmem:$0x1FA00]  }
0x271: {  	v20 =	vadd.f32 v22, v20;
	v22 =	vmul.f32 v12, v31;
	v31 =	vld [tilespmem:$0x1FA30]  }
0x272: {  	v25 =	vmul.f32 v10, v34;
	v17 =	vadd.f32 v23, v17  }
0x273: {  	v23 =	vmul.f32 v9, v30;
	v26 =	vadd.f32 v22, v20;
	v22 =	vmul.f32 v10, v28;
	v28 =	vld [tilespmem:$0x1FE50]  }
0x274: {  	v8 =	vadd.f32 v25, v8;
	v19 =	vadd.f32 v24, v19;
	v30 =	vmul.f32 v11, v29;
	v29 =	vld [tilespmem:$0x1FC60]  }
0x275: {  	v17 =	vadd.f32 v23, v17;
	v23 =	vmul.f32 v10, v33;
	v20 =	vmul.f32 v9, v27;
	v27 =	vld [tilespmem:$0x1FD50]  }
0x276: {  	v34 =	vmul.f32 v7, v8;
	v33 =	vmul.f32 v13, v31;
	v31 =	vld [tilespmem:$0x1FE60]  }
0x277: {  	v19 =	vmul.f32 v6, v19;
	v17 =	vadd.f32 v23, v17;
	v20 =	vadd.f32 v20, v26;
	v26 =	vld [tilespmem:$0x1FC50]  }
0x278: {  	v25 =	vadd.f32 v33, v30;
	v30 =	vld [tilespmem:$0x1FC70]  }
0x279: {  	v34 =	vadd.f32 v19, v34;
	v17 =	vmul.f32 v5, v17;
	v33 =	vld [tilespmem:$0x1FD40]  }
0x27a: {  	v24 =	vadd.f32 v22, v20;
	v22 =	vmul.f32 v13, v28;
	v28 =	vld [tilespmem:$0x1FA50]  }
0x27b: {  	v17 =	vadd.f32 v34, v17;
	v34 =	vld [tilespmem:$0x1FE70]  }
0x27c: {  	v8 =	vadd.f32 v21, v18;
	v18 =	vmul.f32 v11, v27;
	v27 =	vld [tilespmem:$0x1FA40];
	v21 =	vmul.f32 v14, v26  }
0x27d: {  	v23 =	vmul.f32 v9, v30;
	v30 =	vld [tilespmem:$0x1FAB0]  }
0x27e: {  	v20 =	vadd.f32 v21, v25;
	v21 =	vmul.f32 v12, v29;
	v29 =	vld [tilespmem:$0x1FAA0]  }
0x27f: {  	v18 =	vadd.f32 v22, v18;
	v22 =	vmul.f32 v14, v31;
	v31 =	vld [tilespmem:$0x1FA60]  }
0x280: {  	v19 =	vmul.f32 v7, v24;
	v24 =	vmul.f32 v12, v34;
	v34 =	vld [tilespmem:$0x1FC80]  }
0x281: {  	v20 =	vadd.f32 v21, v20;
	v21 =	vmul.f32 v10, v33;
	v33 =	vld [tilespmem:$0x1FF40]  }
0x282: {  	v26 =	vmul.f32 v13, v30;
	v30 =	vld [tilespmem:$0x1FC90]  }
0x283: {  	v18 =	vadd.f32 v22, v18;
	v20 =	vadd.f32 v23, v20;
	v23 =	vmul.f32 v11, v29;
	v29 =	vld [tilespmem:$0x1FA70]  }
0x284: {  	v25 =	vmul.f32 v13, v28;
	v22 =	vmul.f32 v11, v27  }
0x285: {  	v18 =	vadd.f32 v24, v18;
	v24 =	vmul.f32 v14, v31;
	v31 =	vld [tilespmem:$0x1FF50]  }
0x286: {  	v22 =	vadd.f32 v25, v22;
	v25 =	vmul.f32 v9, v33;
	v33 =	vld [tilespmem:$0x1FA80]  }
0x287: {  	v23 =	vadd.f32 v26, v23;
	v26 =	vmul.f32 v14, v34;
	v34 =	vld [tilespmem:$0x1FA90]  }
0x288: {  	v28 =	vadd.f32 v24, v22;
	v24 =	vmul.f32 v12, v30;
	v30 =	vld [tilespmem:$0x1FE80];
	v22 =	vmul.f32 v12, v29  }
0x289: {  	v29 =	vld [tilespmem:$0x1FD80]  }
0x28a: {  	v20 =	vadd.f32 v21, v20;
	v21 =	vadd.f32 v22, v28;
	v28 =	vld [tilespmem:$0x1FD60]  }
0x28b: {  	v22 =	vmul.f32 v9, v33;
	v33 =	vld [tilespmem:$0x1FE90]  }
0x28c: {  	v23 =	vadd.f32 v26, v23  }
0x28d: {  	v18 =	vadd.f32 v25, v18;
	v25 =	vmul.f32 v10, v31;
	v31 =	vld [tilespmem:$0x1FD70]  }
0x28e: {  	v23 =	vadd.f32 v24, v23;
	v26 =	vmul.f32 v10, v34;
	v34 =	vld [tilespmem:$0x1FEA0]  }
0x28f: {  	v21 =	vadd.f32 v22, v21;
	v27 =	vmul.f32 v13, v30;
	v30 =	vld [tilespmem:$0x1FAD0];
	v22 =	vmul.f32 v11, v29  }
0x290: {  	v18 =	vadd.f32 v25, v18;
	v24 =	vmul.f32 v9, v28;
	v25 =	vmul.f32 v14, v33;
	v33 =	vld [tilespmem:$0x1FB30]  }
0x291: {  	v28 =	vld [tilespmem:$0x1FF60]  }
0x292: {  	v29 =	vld [tilespmem:$0x1FAC0];
	v22 =	vadd.f32 v27, v22;
	v23 =	vadd.f32 v24, v23;
	v24 =	vmul.f32 v10, v31  }
0x293: {  	v20 =	vmul.f32 v6, v20;
	v18 =	vmul.f32 v5, v18;
	v31 =	vld [tilespmem:$0x1FB20]  }
0x294: {  	v22 =	vadd.f32 v25, v22;
	v25 =	vmul.f32 v13, v30;
	v30 =	vld [tilespmem:$0x1FCA0];
	v23 =	vadd.f32 v24, v23  }
0x295: {  	v21 =	vadd.f32 v26, v21;
	v24 =	vmul.f32 v12, v34;
	v26 =	vmul.f32 v13, v33;
	v33 =	vld [tilespmem:$0x1FAF0]  }
0x296: {  	v19 =	vadd.f32 v20, v19;
	v20 =	vmul.f32 v6, v23;
	v23 =	vmul.f32 v9, v28;
	v28 =	vld [tilespmem:$0x1FAE0];
	_ =	sdelay $0x1  }
0x297: {  	v18 =	vadd.f32 v19, v18;
	v27 =	vld [tilespmem:$0x1FB00];
	v22 =	vadd.f32 v24, v22;
	v19 =	vmul.f32 v11, v31  }
0x298: {  	v24 =	vmul.f32 v11, v29;
	v29 =	vld [tilespmem:$0x1FF70]  }
0x299: {  	v22 =	vadd.f32 v23, v22;
	v19 =	vadd.f32 v26, v19;
	v26 =	vmul.f32 v14, v30;
	v30 =	vld [tilespmem:$0x1FDA0]  }
0x29a: {  	v34 =	vadd.f32 v25, v24;
	v23 =	vmul.f32 v12, v33;
	v33 =	vld [tilespmem:$0x1FEB0];
	v24 =	vmul.f32 v14, v28  }
0x29b: {  	v21 =	vmul.f32 v7, v21;
	v28 =	vld [tilespmem:$0x1FB10]  }
0x29c: {  	v31 =	vadd.f32 v24, v34;
	v34 =	vld [tilespmem:$0x1FCB0]  }
0x29d: {  	v20 =	vadd.f32 v20, v21;
	v25 =	vmul.f32 v10, v29;
	v19 =	vadd.f32 v26, v19;
	v29 =	vld [tilespmem:$0x1FD90]  }
0x29e: {  	v26 =	vmul.f32 v10, v30;
	v30 =	vld [tilespmem:$0x1FEC0];
	v21 =	vadd.f32 v23, v31;
	v23 =	vmul.f32 v9, v27  }
0x29f: {  	v54 =	vmul.f32 v10, v54;
	v22 =	vadd.f32 v25, v22;
	v31 =	vld [tilespmem:$0x1FDB0]  }
0x2a0: {  	v27 =	vmul.f32 v13, v33;
	v25 =	vmul.f32 v10, v28;
	v21 =	vadd.f32 v23, v21  }
0x2a1: {  	v24 =	vmul.f32 v12, v34;
	v34 =	vmul.f32 v11, v43  }
0x2a2: {  	v43 =	vmul.f32 v13, v42;
	v42 =	vmul.f32 v11, v52;
	v21 =	vadd.f32 v25, v21  }
0x2a3: {  	v25 =	vmul.f32 v14, v30;
	v19 =	vadd.f32 v24, v19;
	v24 =	vmul.f32 v9, v29  }
0x2a4: {  	v23 =	vmul.f32 v11, v31;
	v31 =	vmul.f32 v14, v47  }
0x2a5: {  	v33 =	vld [tilespmem:$0x1FED0];
	v47 =	vmul.f32 v9, v61;
	v61 =	vmul.f32 v10, v37  }
0x2a6: {  	v37 =	vmul.f32 v13, v2;
	v21 =	vmul.f32 v7, v21  }
0x2a7: {  	v19 =	vadd.f32 v24, v19;
	v24 =	vadd.f32 v43, v34;
	v34 =	vmul.f32 v12, v53  }
0x2a8: {  	v23 =	vadd.f32 v27, v23;
	v43 =	vmul.f32 v13, v48;
	v48 =	vmul.f32 v9, v40  }
0x2a9: {  	v53 =	vmul.f32 v14, v45;
	v45 =	vmul.f32 v14, v15;
	v19 =	vadd.f32 v26, v19  }
0x2aa: {  	v23 =	vadd.f32 v25, v23;
	v25 =	vmul.f32 v12, v33;
	v24 =	vadd.f32 v31, v24  }
0x2ab: {  	v15 =	vmul.f32 v9, v0;
	v52 =	vadd.f32 v43, v42;
	v19 =	vmul.f32 v6, v19  }
0x2ac: {  	v28 =	vld [tilespmem:$0x1F790];
	v33 =	vmul.f32 v12, v44;
	v23 =	vadd.f32 v25, v23;
	v24 =	vadd.f32 v34, v24  }
0x2ad: {  	v40 =	vld [tilespmem:$0x1F730];
	v42 =	vmul.f32 v9, v46;
	v44 =	vmul.f32 v10, v49;
	v19 =	vadd.f32 v19, v21  }
0x2ae: {  	v43 =	vld [tilespmem:$0x1F740];
	v34 =	vmul.f32 v11, v1;
	v23 =	vadd.f32 v47, v23;
	v24 =	vadd.f32 v48, v24  }
0x2af: {  	[tilespmem:s15+$0x20] =	vst v4;
	v46 =	vld [tilespmem:$0x1F750];
	v21 =	vadd.f32 v53, v52;
	v47 =	vmul.f32 v11, v62;
	v48 =	vmul.f32 v13, v63  }
0x2b0: {  	[tilespmem:s15+$0x420] =	vst v3;
	v49 =	vld [tilespmem:$0x1F760];
	v27 =	vadd.f32 v37, v34;
	v52 =	vmul.f32 v14, v58;
	v53 =	vmul.f32 v12, v38  }
0x2b1: {  	[tilespmem:s15+$0x820] =	vst v8;
	v58 =	vmul.f32 v11, v39;
	v62 =	vld [tilespmem:$0x1F780];
	v34 =	vmul.f32 v14, v35;
	v23 =	vadd.f32 v54, v23  }
0x2b2: {  	[tilespmem:s15+$0xFFFFF430] =	vst v17;
	v35 =	vld [tilespmem:$0x1F7A0];
	v11 =	vmul.f32 v11, v51;
	v24 =	vadd.f32 v61, v24;
	v21 =	vadd.f32 v33, v21  }
0x2b3: {  	[tilespmem:s15+$0xFFFFF830] =	vst v18;
	v38 =	vld [tilespmem:$0x1FFA0];
	v27 =	vadd.f32 v45, v27;
	v61 =	vmul.f32 v13, v41;
	v13 =	vmul.f32 v13, v50  }
0x2b4: {  	[tilespmem:s15+$0xFFFFF410] =	vst v28;
	v37 =	vld [tilespmem:$0x1F7B0];
	v25 =	vadd.f32 v48, v47;
	v41 =	vmul.f32 v12, v32;
	v45 =	vmul.f32 v14, v56  }
0x2b5: {  	[tilespmem:s15+$0xFFFFFC00] =	vst v46;
	v46 =	vld [tilespmem:$0x1F7D0];
	v48 =	vmul.f32 v9, v36;
	v21 =	vadd.f32 v42, v21;
	v63 =	vadd.f32 v53, v27  }
0x2b6: {  	[tilespmem:s15+$0xFFFFF800] =	vst v43;
	v56 =	vmul.f32 v10, v55;
	v25 =	vadd.f32 v52, v25;
	v33 =	vadd.f32 v61, v58;
	v53 =	vld [tilespmem:$0x1FFB0]  }
0x2b7: {  	[tilespmem:s15+$0x0] =	vst v49;
	v49 =	vld [tilespmem:$0x1F7E0];
	v43 =	vadd.f32 v13, v11;
	v51 =	vmul.f32 v7, v24;
	v61 =	vmul.f32 v5, v22  }
0x2b8: {  	[tilespmem:s15+$0xFFFFF400] =	vst v40;
	v58 =	vld [tilespmem:$0x1FFC0];
	v39 =	vmul.f32 v12, v38;
	v21 =	vadd.f32 v44, v21;
	v40 =	vadd.f32 v34, v33  }
0x2b9: {  	v54 =	vld [tilespmem:$0x1F770];
	[tilespmem:s15+$0x800] =	vst v62;
	v26 =	vadd.f32 v15, v63;
	v44 =	vmul.f32 v10, v16;
	v0 =	vadd.f32 v45, v43  }
0x2ba: {  	v50 =	vld [tilespmem:$0x1F7F0];
	[tilespmem:s15+$0xFFFFF810] =	vst v35;
	v12 =	vmul.f32 v12, v57;
	v3 =	vadd.f32 v20, v61;
	v47 =	vadd.f32 v41, v40  }
0x2bb: {  	[tilespmem:s15+$0xFFFFFC10] =	vst v37;
	v1 =	vadd.f32 v39, v25;
	v11 =	vadd.f32 v44, v26;
	v14 =	vmul.f32 v9, v53  }
0x2bc: {  	v42 =	vld [tilespmem:$0x1F7C0];
	[tilespmem:s15+$0x410] =	vst v46;
	v0 =	vadd.f32 v12, v0;
	v9 =	vmul.f32 v9, v59;
	v52 =	vadd.f32 v48, v47  }
0x2bd: {  	v57 =	vld [tilespmem:$0x1F810];
	[tilespmem:s15+$0x810] =	vst v49;
	v7 =	vmul.f32 v7, v11;
	v11 =	vmul.f32 v10, v58;
	v1 =	vadd.f32 v14, v1  }
0x2be: {  	v60 =	vmul.f32 v10, v60;
	[tilespmem:s15+$0x400] =	vst v54;
	v54 =	vld [tilespmem:$0x1F800];
	v0 =	vadd.f32 v9, v0;
	v59 =	vadd.f32 v56, v52  }
0x2bf: {  	[tilespmem:s15+$0xFFFFF420] =	vst v50;
	v62 =	vmul.f32 v6, v21;
	v1 =	vadd.f32 v11, v1  }
0x2c0: {  	s13 =	sadd.s32 $0x4, s13;
	v63 =	vmul.f32 v5, v23;
	[tilespmem:s15+$0xFFFFFC30] =	vst v3;
	v0 =	vadd.f32 v60, v0;
	v4 =	vmul.f32 v6, v59  }
0x2c1: {  	p0 =	slt.u32 s13, $0x3C;
	[tilespmem:s15+$0x10] =	vst v42;
	v2 =	vadd.f32 v62, v51;
	v1 =	vmul.f32 v5, v1  }
.Ltmp0:
0x2c2: {  	[tilespmem:s15+$0xFFFFFC20] =	vst v57;
	v6 =	vadd.f32 v19, v63;
	v0 =	vmul.f32 v5, v0;
	v4 =	vadd.f32 v4, v7;
	(pc) =	sbr.rel @p0 .LBB2_2-.Ltmp0, $4  }
0x2c3: {  	[tilespmem:s15+$0xFFFFF820] =	vst v54;
	v1 =	vadd.f32 v2, v1  }
0x2c4: {  	[tilespmem:s15+$0x30] =	vst v6;
	v0 =	vadd.f32 v4, v0  }
0x2c5: {  	[tilespmem:s15+$0x430] =	vst v1  }
0x2c6: {  	s14 =	sadd.s32 $0x40, s14;
	[tilespmem:s15+$0x830] =	vst v0;
	s15 =	sadd.s32 $0x40, s15  }
0x2c7: {  	s12 =	sadd.s32 $0x1, s12  }
0x2c8: {  	p0 =	sne.s32 s12, s6  }
.Ltmp1:
0x2c9: {  	_ = 	snop;
	(pc) =	sbr.rel @p0 .LBB2_1-.Ltmp1, $4  }
0x2ca: {  	[hbm4b:s5+s7] =	stream.strided.scatter [tilespmem:s11], [sflag:$0x1], $0x1800, s8, s7, $0x38;
	[tilespmem:$0x3100] =	vst v63  }
0x2cb: {  	_ =	swait.ge [sflag:s10], $0x1800  }
0x2cc: {  	[sflag:s10] =	ssyncset.done $0x0  }
0x2cd: {  	[sflag:s10] =	ssyncadd.s32 $0xFFFFE800  }
0x2ce: {  	_ =	sfence.sel $0x180000  }
0x2cf: {  	[bflag:$0x0] =	sbarrier.arrive $0xFFFF  }
0x2d0: {  	p0 =	sne.s32 s2, $0x0;
	_ =	strace $0x90000047  }
0x2d1: {  	s0 =	sadd.s32 @!p0 $0x100000, s0;
	[bflag:$0x2] =	sbarrier.arrive $0xFFFF  }
0x2d2: {  	[sflag:s0] =	ssyncadd.tile.s32 @!p0 $0x1;
	_ =	shalt  }
.Lfunc_end2:
_tile_overlayer_lowered:
.L_overlay_start_2:
0x2d3: {  	(tag) =	ssettag $0x2  }
0x2d4: {  	s0 =	rddreg [dreg:$0x0];
	s2 =	stileid.u32  }
0x2d5: {  	s1 =	rddreg [dreg:$0x1];
	p0 =	sne.s32 s2, $0x0  }
0x2d6: {  	s3 =	rddreg [dreg:$0x2];
	[bflag:$0x3] =	sbarrier.arrive $0xFFFF;
	s2 =	simm.s32 @!p0 $0x1C02  }
0x2d7: {  	[timem:s3], [sflag:s2] =	dma.local @!p0 [hbm:s0], s1  }
0x2d8: {  	s0 =	simm.s32 @!p0 $0x2  }
0x2d9: {  	_ =	swait.ge @!p0 [sflag:s0], s1  }
0x2da: {  	s1 =	ssub.s32 @!p0 $0x0, s1;
	[sflag:s0] =	ssyncset.done @!p0 $0x0  }
0x2db: {  	[sflag:s0] =	ssyncadd.s32 @!p0 s1  }
0x2dc: {  	[bflag:$0x3] =	sbarrier.arrive $0xFFFF  }
0x2dd: {  	_ =	shalt  }

</sc_bundles>
